<compile_context>
chip_gen: v7x
topology: tpu7x:2x2x1
jax: 0.10.2.dev20260603
libtpu: 0.0.44.dev20260713+nightly
codegen_flags: <defaults>
</compile_context>

<pallas_src>
import functools

import jax
import jax.numpy as jnp
from jax import lax
from jax.experimental import pallas as pl
from jax.experimental.pallas import tpu as pltpu
from jax.experimental.pallas import tpu_sc as plsc

GENRES = 100000
CHANNELS = 32
BATCH = 16384

NUM_CORES = 2
NUM_SUBCORES = 16

CHUNK = 4096
NCHUNK = BATCH // CHUNK
ROWS = CHUNK // 128
IDX_ROWS = BATCH // 128


def _embed_body(genre_hbm, table_hbm, out_hbm, chan_v, idx_v, out_v, idx_sh,
                chan_sem, idx_sem, out_sem):
    s = lax.axis_index("s")
    ch = lax.axis_index("c") * NUM_SUBCORES + s
    chan_cp = pltpu.async_copy(table_hbm.at[ch], chan_v, chan_sem)

    @pl.when(s == 0)
    def _():
        pltpu.async_copy(genre_hbm, idx_sh, idx_sem).wait()

    plsc.subcore_barrier()
    idx_cp = pltpu.async_copy(idx_sh, idx_v, idx_sem)

    chan_cp.wait()
    idx_cp.wait()
    out_cps = []
    for q in range(NCHUNK):
        if q >= 2:
            out_cps[q - 2].wait()
        obase = (q % 2) * ROWS
        qbase = q * ROWS

        @plsc.parallel_loop(0, ROWS, unroll=2)
        def row_body(r, obase=obase, qbase=qbase):
            for k in range(8):
                g = idx_v[qbase + r, pl.ds(k * 16, 16)]
                out_v[obase + r, pl.ds(k * 16, 16)] = plsc.load_gather(
                    chan_v, [g]
                )

        out_cps.append(
            pltpu.async_copy(
                out_v.at[pl.ds(obase, ROWS), :],
                out_hbm.at[pl.ds(ch * 128 + q * ROWS, ROWS)],
                out_sem,
            )
        )
    out_cps[-2].wait()
    out_cps[-1].wait()


@jax.jit
def _lookup(genre, table):
    mesh = plsc.VectorSubcoreMesh(core_axis_name="c", subcore_axis_name="s")
    out = pl.kernel(
        _embed_body,
        out_type=jax.ShapeDtypeStruct((BATCH * CHANNELS // 128, 128),
                                      jnp.float32),
        mesh=mesh,
        scratch_types=[
            pltpu.VMEM((GENRES,), jnp.float32),
            pltpu.VMEM((IDX_ROWS, 128), jnp.int32),
            pltpu.VMEM((2 * ROWS, 128), jnp.float32),
            pltpu.VMEM_SHARED((IDX_ROWS, 128), jnp.int32),
            pltpu.SemaphoreType.DMA,
            pltpu.SemaphoreType.DMA,
            pltpu.SemaphoreType.DMA,
        ],
        compiler_params=pltpu.CompilerParams(
            use_tc_tiling_on_sc=True, needs_layout_passes=False
        ),
    )(genre.reshape(BATCH // 128, 128), table.T)
    return out.reshape(CHANNELS, 1, BATCH).transpose(2, 0, 1).reshape(
        BATCH, CHANNELS, 1, 1)


def kernel(genre, table):
    return _lookup(genre, table)

# --- scband reference (transcript-rebuilt; emitter-appended) ---
"""Pipeline reference for scband-genre-embd-23691039605150 (READ-ONLY COPY).

The authoritative reference and input builder live on the scoring server;
editing this copy changes nothing except your own understanding.
"""

import jax, jax.numpy as jnp
import numpy as np

GENRES = 100000
CHANNELS = 32
BATCH = 16384

def setup_inputs(seed: int = 0) -> dict:
    key = jax.random.key(seed)
    k1, k2 = jax.random.split(key)
    genre = jax.random.randint(k1, (BATCH,), 0, GENRES, dtype=jnp.int64 if jax.config.jax_enable_x64 else jnp.int32).astype(jnp.int32)
    table = jax.random.normal(k2, (GENRES, CHANNELS), dtype=jnp.float32)
    return {"genre": genre, "table": table}

def reference(genre, table):
    # nn.Embedding lookup: table[genre] -> [B, C]
    emb = jnp.take(table, genre, axis=0)
    # [:, ..., None, None] -> [B, C, 1, 1]
    return emb[:, :, None, None]

if __name__ == "__main__":
    import jax
    _d = setup_inputs()
    print(jax.jit(kernel)(*tuple(_d.values())))

</pallas_src>

<mosaic_0001>
#map = affine_map<(d0, d1) -> (0, 0)>
module attributes {stable_mosaic.version = 14 : i64} {
  func.func @_embed_body(%arg0: i32, %arg1: i32, %arg2: memref<128x128xi32, #tpu.memory_space<hbm>>, %arg3: memref<32x100000xf32, #tpu.memory_space<hbm>>, %arg4: memref<4096x128xf32, #tpu.memory_space<hbm>>, %arg5: memref<100000xf32, #tpu.memory_space<vmem>>, %arg6: memref<128x128xi32, #tpu.memory_space<vmem>>, %arg7: memref<64x128xf32, #tpu.memory_space<vmem>>, %arg8: memref<128x128xi32, #tpu.memory_space<vmem_shared>>, %arg9: memref<!tpu.dma_semaphore, #tpu.memory_space<semaphore_mem>>, %arg10: memref<!tpu.dma_semaphore, #tpu.memory_space<semaphore_mem>>, %arg11: memref<!tpu.dma_semaphore, #tpu.memory_space<semaphore_mem>>) attributes {dimension_semantics = [#tpu.dimension_semantics<core_parallel>, #tpu.dimension_semantics<subcore_parallel>], iteration_bounds = array<i64: 2, 16>, scalar_prefetch = 0 : i64, scratch_operands = 7 : i64, tpu.core_type = #tpu.core_type<sc_vector_subcore>, window_params = [{transform_indices = #map}, {transform_indices = #map}, {transform_indices = #map}]} {
    %mul3A = arith.constant 16 : i32
    %mul3A_0 = arith.muli %arg0, %mul3A : i32
    %add3A = arith.addi %mul3A_0, %arg1 : i32
    %dma_start3A = arith.constant 0 : i32
    %dma_start3A_1 = tpu.memref_slice %arg3[%add3A, %dma_start3A] : memref<32x100000xf32, #tpu.memory_space<hbm>> -> memref<1x100000xf32, #tpu.memory_space<hbm>>
    %dma_start3A_2 = tpu.memref_squeeze %dma_start3A_1 : memref<1x100000xf32, #tpu.memory_space<hbm>> -> memref<100000xf32, #tpu.memory_space<hbm>>
    %dma_start3A_3 = arith.constant 0 : i32
    %dma_start3A_4 = tpu.memref_slice %arg3[%add3A, %dma_start3A_3] : memref<32x100000xf32, #tpu.memory_space<hbm>> -> memref<1x100000xf32, #tpu.memory_space<hbm>>
    %dma_start3A_5 = tpu.memref_squeeze %dma_start3A_4 : memref<1x100000xf32, #tpu.memory_space<hbm>> -> memref<100000xf32, #tpu.memory_space<hbm>>
    tpu.enqueue_dma source(%dma_start3A_5 : memref<100000xf32, #tpu.memory_space<hbm>>) target(%arg5 : memref<100000xf32, #tpu.memory_space<vmem>>) target_semaphore(%arg9 : memref<!tpu.dma_semaphore, #tpu.memory_space<semaphore_mem>>)
    %eq3A = arith.constant 0 : i32
    %eq3A_6 = arith.cmpi eq, %arg1, %eq3A : i32
    %convert_element_type3A = arith.extui %eq3A_6 : i1 to i32
    %cond3A = arith.constant 0 : i32
    %cond3A_7 = arith.cmpi ne, %convert_element_type3A, %cond3A : i32
    scf.if %cond3A_7 {
      tpu.enqueue_dma source(%arg2 : memref<128x128xi32, #tpu.memory_space<hbm>>) target(%arg8 : memref<128x128xi32, #tpu.memory_space<vmem_shared>>) target_semaphore(%arg10 : memref<!tpu.dma_semaphore, #tpu.memory_space<semaphore_mem>>)
      tpu.wait_dma2 semaphore(%arg10 : memref<!tpu.dma_semaphore, #tpu.memory_space<semaphore_mem>>) src(%arg2 : memref<128x128xi32, #tpu.memory_space<hbm>>) dst(%arg8 : memref<128x128xi32, #tpu.memory_space<vmem_shared>>)
    } else {
    }
    %barrier3A = arith.constant 0 : index
    tpu.barrier barrier_id(%barrier3A)
    tpu.enqueue_dma source(%arg8 : memref<128x128xi32, #tpu.memory_space<vmem_shared>>) target(%arg6 : memref<128x128xi32, #tpu.memory_space<vmem>>) target_semaphore(%arg10 : memref<!tpu.dma_semaphore, #tpu.memory_space<semaphore_mem>>)
    %dma_wait3A = arith.constant 0 : i32
    %dma_wait3A_8 = tpu.memref_slice %arg3[%add3A, %dma_wait3A] : memref<32x100000xf32, #tpu.memory_space<hbm>> -> memref<1x100000xf32, #tpu.memory_space<hbm>>
    %dma_wait3A_9 = tpu.memref_squeeze %dma_wait3A_8 : memref<1x100000xf32, #tpu.memory_space<hbm>> -> memref<100000xf32, #tpu.memory_space<hbm>>
    %dma_wait3A_10 = arith.constant 0 : i32
    %dma_wait3A_11 = tpu.memref_slice %arg3[%add3A, %dma_wait3A_10] : memref<32x100000xf32, #tpu.memory_space<hbm>> -> memref<1x100000xf32, #tpu.memory_space<hbm>>
    %dma_wait3A_12 = tpu.memref_squeeze %dma_wait3A_11 : memref<1x100000xf32, #tpu.memory_space<hbm>> -> memref<100000xf32, #tpu.memory_space<hbm>>
    tpu.wait_dma2 semaphore(%arg9 : memref<!tpu.dma_semaphore, #tpu.memory_space<semaphore_mem>>) src(%dma_wait3A_12 : memref<100000xf32, #tpu.memory_space<hbm>>) dst(%arg5 : memref<100000xf32, #tpu.memory_space<vmem>>)
    tpu.wait_dma2 semaphore(%arg10 : memref<!tpu.dma_semaphore, #tpu.memory_space<semaphore_mem>>) src(%arg8 : memref<128x128xi32, #tpu.memory_space<vmem_shared>>) dst(%arg6 : memref<128x128xi32, #tpu.memory_space<vmem>>)
    %parallel_loop3A = arith.constant 0 : i32
    %parallel_loop3A_13 = arith.constant 32 : i32
    %parallel_loop3A_14 = arith.constant 1 : i32
    scf.for %parallel_loop3A_120 = %parallel_loop3A to %parallel_loop3A_13 step %parallel_loop3A_14  : i32 {
      %parallel_loop3A_121 = arith.constant 0 : i32
      %parallel_loop3A_122 = arith.addi %parallel_loop3A_121, %parallel_loop3A_120 : i32
      %parallel_loop3A_123 = arith.index_cast %parallel_loop3A_122 : i32 to index
      %parallel_loop3A_124 = arith.constant 0 : index
      %parallel_loop3A_125 = tpu.vector_load %arg6[%parallel_loop3A_123, %parallel_loop3A_124] {strides = array<i32>} : memref<128x128xi32, #tpu.memory_space<vmem>>, vector<16xi32>,
      %parallel_loop3A_126 = tpu.vector_load_idx %arg5[%parallel_loop3A_125] : memref<100000xf32, #tpu.memory_space<vmem>>[vector<16xi32>], vector<16xf32>,
      %parallel_loop3A_127 = arith.constant 0 : i32
      %parallel_loop3A_128 = arith.addi %parallel_loop3A_127, %parallel_loop3A_120 : i32
      %parallel_loop3A_129 = arith.index_cast %parallel_loop3A_128 : i32 to index
      %parallel_loop3A_130 = arith.constant 0 : index
      %parallel_loop3A_131 = tpu.vector_load %arg7[%parallel_loop3A_129, %parallel_loop3A_130] {strides = array<i32>} : memref<64x128xf32, #tpu.memory_space<vmem>>, vector<16xf32>,
      tpu.vector_store %arg7[%parallel_loop3A_129, %parallel_loop3A_130], %parallel_loop3A_126 {strides = array<i32>} : memref<64x128xf32, #tpu.memory_space<vmem>>, vector<16xf32>,
      %parallel_loop3A_132 = arith.constant 0 : i32
      %parallel_loop3A_133 = arith.addi %parallel_loop3A_132, %parallel_loop3A_120 : i32
      %parallel_loop3A_134 = arith.index_cast %parallel_loop3A_133 : i32 to index
      %parallel_loop3A_135 = arith.constant 16 : index
      %parallel_loop3A_136 = tpu.vector_load %arg6[%parallel_loop3A_134, %parallel_loop3A_135] {strides = array<i32>} : memref<128x128xi32, #tpu.memory_space<vmem>>, vector<16xi32>,
      %parallel_loop3A_137 = tpu.vector_load_idx %arg5[%parallel_loop3A_136] : memref<100000xf32, #tpu.memory_space<vmem>>[vector<16xi32>], vector<16xf32>,
      %parallel_loop3A_138 = arith.constant 0 : i32
      %parallel_loop3A_139 = arith.addi %parallel_loop3A_138, %parallel_loop3A_120 : i32
      %parallel_loop3A_140 = arith.index_cast %parallel_loop3A_139 : i32 to index
      %parallel_loop3A_141 = arith.constant 16 : index
      %parallel_loop3A_142 = tpu.vector_load %arg7[%parallel_loop3A_140, %parallel_loop3A_141] {strides = array<i32>} : memref<64x128xf32, #tpu.memory_space<vmem>>, vector<16xf32>,
      tpu.vector_store %arg7[%parallel_loop3A_140, %parallel_loop3A_141], %parallel_loop3A_137 {strides = array<i32>} : memref<64x128xf32, #tpu.memory_space<vmem>>, vector<16xf32>,
      %parallel_loop3A_143 = arith.constant 0 : i32
      %parallel_loop3A_144 = arith.addi %parallel_loop3A_143, %parallel_loop3A_120 : i32
      %parallel_loop3A_145 = arith.index_cast %parallel_loop3A_144 : i32 to index
      %parallel_loop3A_146 = arith.constant 32 : index
      %parallel_loop3A_147 = tpu.vector_load %arg6[%parallel_loop3A_145, %parallel_loop3A_146] {strides = array<i32>} : memref<128x128xi32, #tpu.memory_space<vmem>>, vector<16xi32>,
      %parallel_loop3A_148 = tpu.vector_load_idx %arg5[%parallel_loop3A_147] : memref<100000xf32, #tpu.memory_space<vmem>>[vector<16xi32>], vector<16xf32>,
      %parallel_loop3A_149 = arith.constant 0 : i32
      %parallel_loop3A_150 = arith.addi %parallel_loop3A_149, %parallel_loop3A_120 : i32
      %parallel_loop3A_151 = arith.index_cast %parallel_loop3A_150 : i32 to index
      %parallel_loop3A_152 = arith.constant 32 : index
      %parallel_loop3A_153 = tpu.vector_load %arg7[%parallel_loop3A_151, %parallel_loop3A_152] {strides = array<i32>} : memref<64x128xf32, #tpu.memory_space<vmem>>, vector<16xf32>,
      tpu.vector_store %arg7[%parallel_loop3A_151, %parallel_loop3A_152], %parallel_loop3A_148 {strides = array<i32>} : memref<64x128xf32, #tpu.memory_space<vmem>>, vector<16xf32>,
      %parallel_loop3A_154 = arith.constant 0 : i32
      %parallel_loop3A_155 = arith.addi %parallel_loop3A_154, %parallel_loop3A_120 : i32
      %parallel_loop3A_156 = arith.index_cast %parallel_loop3A_155 : i32 to index
      %parallel_loop3A_157 = arith.constant 48 : index
      %parallel_loop3A_158 = tpu.vector_load %arg6[%parallel_loop3A_156, %parallel_loop3A_157] {strides = array<i32>} : memref<128x128xi32, #tpu.memory_space<vmem>>, vector<16xi32>,
      %parallel_loop3A_159 = tpu.vector_load_idx %arg5[%parallel_loop3A_158] : memref<100000xf32, #tpu.memory_space<vmem>>[vector<16xi32>], vector<16xf32>,
      %parallel_loop3A_160 = arith.constant 0 : i32
      %parallel_loop3A_161 = arith.addi %parallel_loop3A_160, %parallel_loop3A_120 : i32
      %parallel_loop3A_162 = arith.index_cast %parallel_loop3A_161 : i32 to index
      %parallel_loop3A_163 = arith.constant 48 : index
      %parallel_loop3A_164 = tpu.vector_load %arg7[%parallel_loop3A_162, %parallel_loop3A_163] {strides = array<i32>} : memref<64x128xf32, #tpu.memory_space<vmem>>, vector<16xf32>,
      tpu.vector_store %arg7[%parallel_loop3A_162, %parallel_loop3A_163], %parallel_loop3A_159 {strides = array<i32>} : memref<64x128xf32, #tpu.memory_space<vmem>>, vector<16xf32>,
      %parallel_loop3A_165 = arith.constant 0 : i32
      %parallel_loop3A_166 = arith.addi %parallel_loop3A_165, %parallel_loop3A_120 : i32
      %parallel_loop3A_167 = arith.index_cast %parallel_loop3A_166 : i32 to index
      %parallel_loop3A_168 = arith.constant 64 : index
      %parallel_loop3A_169 = tpu.vector_load %arg6[%parallel_loop3A_167, %parallel_loop3A_168] {strides = array<i32>} : memref<128x128xi32, #tpu.memory_space<vmem>>, vector<16xi32>,
      %parallel_loop3A_170 = tpu.vector_load_idx %arg5[%parallel_loop3A_169] : memref<100000xf32, #tpu.memory_space<vmem>>[vector<16xi32>], vector<16xf32>,
      %parallel_loop3A_171 = arith.constant 0 : i32
      %parallel_loop3A_172 = arith.addi %parallel_loop3A_171, %parallel_loop3A_120 : i32
      %parallel_loop3A_173 = arith.index_cast %parallel_loop3A_172 : i32 to index
      %parallel_loop3A_174 = arith.constant 64 : index
      %parallel_loop3A_175 = tpu.vector_load %arg7[%parallel_loop3A_173, %parallel_loop3A_174] {strides = array<i32>} : memref<64x128xf32, #tpu.memory_space<vmem>>, vector<16xf32>,
      tpu.vector_store %arg7[%parallel_loop3A_173, %parallel_loop3A_174], %parallel_loop3A_170 {strides = array<i32>} : memref<64x128xf32, #tpu.memory_space<vmem>>, vector<16xf32>,
      %parallel_loop3A_176 = arith.constant 0 : i32
      %parallel_loop3A_177 = arith.addi %parallel_loop3A_176, %parallel_loop3A_120 : i32
      %parallel_loop3A_178 = arith.index_cast %parallel_loop3A_177 : i32 to index
      %parallel_loop3A_179 = arith.constant 80 : index
      %parallel_loop3A_180 = tpu.vector_load %arg6[%parallel_loop3A_178, %parallel_loop3A_179] {strides = array<i32>} : memref<128x128xi32, #tpu.memory_space<vmem>>, vector<16xi32>,
      %parallel_loop3A_181 = tpu.vector_load_idx %arg5[%parallel_loop3A_180] : memref<100000xf32, #tpu.memory_space<vmem>>[vector<16xi32>], vector<16xf32>,
      %parallel_loop3A_182 = arith.constant 0 : i32
      %parallel_loop3A_183 = arith.addi %parallel_loop3A_182, %parallel_loop3A_120 : i32
      %parallel_loop3A_184 = arith.index_cast %parallel_loop3A_183 : i32 to index
      %parallel_loop3A_185 = arith.constant 80 : index
      %parallel_loop3A_186 = tpu.vector_load %arg7[%parallel_loop3A_184, %parallel_loop3A_185] {strides = array<i32>} : memref<64x128xf32, #tpu.memory_space<vmem>>, vector<16xf32>,
      tpu.vector_store %arg7[%parallel_loop3A_184, %parallel_loop3A_185], %parallel_loop3A_181 {strides = array<i32>} : memref<64x128xf32, #tpu.memory_space<vmem>>, vector<16xf32>,
      %parallel_loop3A_187 = arith.constant 0 : i32
      %parallel_loop3A_188 = arith.addi %parallel_loop3A_187, %parallel_loop3A_120 : i32
      %parallel_loop3A_189 = arith.index_cast %parallel_loop3A_188 : i32 to index
      %parallel_loop3A_190 = arith.constant 96 : index
      %parallel_loop3A_191 = tpu.vector_load %arg6[%parallel_loop3A_189, %parallel_loop3A_190] {strides = array<i32>} : memref<128x128xi32, #tpu.memory_space<vmem>>, vector<16xi32>,
      %parallel_loop3A_192 = tpu.vector_load_idx %arg5[%parallel_loop3A_191] : memref<100000xf32, #tpu.memory_space<vmem>>[vector<16xi32>], vector<16xf32>,
      %parallel_loop3A_193 = arith.constant 0 : i32
      %parallel_loop3A_194 = arith.addi %parallel_loop3A_193, %parallel_loop3A_120 : i32
      %parallel_loop3A_195 = arith.index_cast %parallel_loop3A_194 : i32 to index
      %parallel_loop3A_196 = arith.constant 96 : index
      %parallel_loop3A_197 = tpu.vector_load %arg7[%parallel_loop3A_195, %parallel_loop3A_196] {strides = array<i32>} : memref<64x128xf32, #tpu.memory_space<vmem>>, vector<16xf32>,
      tpu.vector_store %arg7[%parallel_loop3A_195, %parallel_loop3A_196], %parallel_loop3A_192 {strides = array<i32>} : memref<64x128xf32, #tpu.memory_space<vmem>>, vector<16xf32>,
      %parallel_loop3A_198 = arith.constant 0 : i32
      %parallel_loop3A_199 = arith.addi %parallel_loop3A_198, %parallel_loop3A_120 : i32
      %parallel_loop3A_200 = arith.index_cast %parallel_loop3A_199 : i32 to index
      %parallel_loop3A_201 = arith.constant 112 : index
      %parallel_loop3A_202 = tpu.vector_load %arg6[%parallel_loop3A_200, %parallel_loop3A_201] {strides = array<i32>} : memref<128x128xi32, #tpu.memory_space<vmem>>, vector<16xi32>,
      %parallel_loop3A_203 = tpu.vector_load_idx %arg5[%parallel_loop3A_202] : memref<100000xf32, #tpu.memory_space<vmem>>[vector<16xi32>], vector<16xf32>,
      %parallel_loop3A_204 = arith.constant 0 : i32
      %parallel_loop3A_205 = arith.addi %parallel_loop3A_204, %parallel_loop3A_120 : i32
      %parallel_loop3A_206 = arith.index_cast %parallel_loop3A_205 : i32 to index
      %parallel_loop3A_207 = arith.constant 112 : index
      %parallel_loop3A_208 = tpu.vector_load %arg7[%parallel_loop3A_206, %parallel_loop3A_207] {strides = array<i32>} : memref<64x128xf32, #tpu.memory_space<vmem>>, vector<16xf32>,
      tpu.vector_store %arg7[%parallel_loop3A_206, %parallel_loop3A_207], %parallel_loop3A_203 {strides = array<i32>} : memref<64x128xf32, #tpu.memory_space<vmem>>, vector<16xf32>,
    } {sc.loop_unroll_factor = 2 : i64, sc.parallel_access}
    %mul3A_15 = arith.constant 128 : i32
    %mul3A_16 = arith.muli %add3A, %mul3A_15 : i32
    %add3A_17 = arith.constant 0 : i32
    %add3A_18 = arith.addi %mul3A_16, %add3A_17 : i32
    %dma_start3A_19 = arith.constant 0 : i32
    %dma_start3A_20 = arith.constant 0 : i32
    %dma_start3A_21 = tpu.memref_slice %arg7[%dma_start3A_19, %dma_start3A_20] : memref<64x128xf32, #tpu.memory_space<vmem>> -> memref<32x128xf32, #tpu.memory_space<vmem>>
    %dma_start3A_22 = arith.constant 0 : i32
    %dma_start3A_23 = tpu.memref_slice %arg4[%add3A_18, %dma_start3A_22] : memref<4096x128xf32, #tpu.memory_space<hbm>> -> memref<32x128xf32, #tpu.memory_space<hbm>>
    %dma_start3A_24 = arith.constant 0 : i32
    %dma_start3A_25 = tpu.memref_slice %arg4[%add3A_18, %dma_start3A_24] : memref<4096x128xf32, #tpu.memory_space<hbm>> -> memref<32x128xf32, #tpu.memory_space<hbm>>
    %dma_start3A_26 = arith.constant 0 : i32
    %dma_start3A_27 = arith.constant 0 : i32
    %dma_start3A_28 = tpu.memref_slice %arg7[%dma_start3A_26, %dma_start3A_27] : memref<64x128xf32, #tpu.memory_space<vmem>> -> memref<32x128xf32, #tpu.memory_space<vmem>>
    tpu.enqueue_dma source(%dma_start3A_28 : memref<32x128xf32, #tpu.memory_space<vmem>>) target(%dma_start3A_25 : memref<32x128xf32, #tpu.memory_space<hbm>>) target_semaphore(%arg11 : memref<!tpu.dma_semaphore, #tpu.memory_space<semaphore_mem>>)
    %parallel_loop3A_29 = arith.constant 0 : i32
    %parallel_loop3A_30 = arith.constant 32 : i32
    %parallel_loop3A_31 = arith.constant 1 : i32
    scf.for %parallel_loop3A_120 = %parallel_loop3A_29 to %parallel_loop3A_30 step %parallel_loop3A_31  : i32 {
      %parallel_loop3A_121 = arith.constant 32 : i32
      %parallel_loop3A_122 = arith.addi %parallel_loop3A_121, %parallel_loop3A_120 : i32
      %parallel_loop3A_123 = arith.index_cast %parallel_loop3A_122 : i32 to index
      %parallel_loop3A_124 = arith.constant 0 : index
      %parallel_loop3A_125 = tpu.vector_load %arg6[%parallel_loop3A_123, %parallel_loop3A_124] {strides = array<i32>} : memref<128x128xi32, #tpu.memory_space<vmem>>, vector<16xi32>,
      %parallel_loop3A_126 = tpu.vector_load_idx %arg5[%parallel_loop3A_125] : memref<100000xf32, #tpu.memory_space<vmem>>[vector<16xi32>], vector<16xf32>,
      %parallel_loop3A_127 = arith.constant 32 : i32
      %parallel_loop3A_128 = arith.addi %parallel_loop3A_127, %parallel_loop3A_120 : i32
      %parallel_loop3A_129 = arith.index_cast %parallel_loop3A_128 : i32 to index
      %parallel_loop3A_130 = arith.constant 0 : index
      %parallel_loop3A_131 = tpu.vector_load %arg7[%parallel_loop3A_129, %parallel_loop3A_130] {strides = array<i32>} : memref<64x128xf32, #tpu.memory_space<vmem>>, vector<16xf32>,
      tpu.vector_store %arg7[%parallel_loop3A_129, %parallel_loop3A_130], %parallel_loop3A_126 {strides = array<i32>} : memref<64x128xf32, #tpu.memory_space<vmem>>, vector<16xf32>,
      %parallel_loop3A_132 = arith.constant 32 : i32
      %parallel_loop3A_133 = arith.addi %parallel_loop3A_132, %parallel_loop3A_120 : i32
      %parallel_loop3A_134 = arith.index_cast %parallel_loop3A_133 : i32 to index
      %parallel_loop3A_135 = arith.constant 16 : index
      %parallel_loop3A_136 = tpu.vector_load %arg6[%parallel_loop3A_134, %parallel_loop3A_135] {strides = array<i32>} : memref<128x128xi32, #tpu.memory_space<vmem>>, vector<16xi32>,
      %parallel_loop3A_137 = tpu.vector_load_idx %arg5[%parallel_loop3A_136] : memref<100000xf32, #tpu.memory_space<vmem>>[vector<16xi32>], vector<16xf32>,
      %parallel_loop3A_138 = arith.constant 32 : i32
      %parallel_loop3A_139 = arith.addi %parallel_loop3A_138, %parallel_loop3A_120 : i32
      %parallel_loop3A_140 = arith.index_cast %parallel_loop3A_139 : i32 to index
      %parallel_loop3A_141 = arith.constant 16 : index
      %parallel_loop3A_142 = tpu.vector_load %arg7[%parallel_loop3A_140, %parallel_loop3A_141] {strides = array<i32>} : memref<64x128xf32, #tpu.memory_space<vmem>>, vector<16xf32>,
      tpu.vector_store %arg7[%parallel_loop3A_140, %parallel_loop3A_141], %parallel_loop3A_137 {strides = array<i32>} : memref<64x128xf32, #tpu.memory_space<vmem>>, vector<16xf32>,
      %parallel_loop3A_143 = arith.constant 32 : i32
      %parallel_loop3A_144 = arith.addi %parallel_loop3A_143, %parallel_loop3A_120 : i32
      %parallel_loop3A_145 = arith.index_cast %parallel_loop3A_144 : i32 to index
      %parallel_loop3A_146 = arith.constant 32 : index
      %parallel_loop3A_147 = tpu.vector_load %arg6[%parallel_loop3A_145, %parallel_loop3A_146] {strides = array<i32>} : memref<128x128xi32, #tpu.memory_space<vmem>>, vector<16xi32>,
      %parallel_loop3A_148 = tpu.vector_load_idx %arg5[%parallel_loop3A_147] : memref<100000xf32, #tpu.memory_space<vmem>>[vector<16xi32>], vector<16xf32>,
      %parallel_loop3A_149 = arith.constant 32 : i32
      %parallel_loop3A_150 = arith.addi %parallel_loop3A_149, %parallel_loop3A_120 : i32
      %parallel_loop3A_151 = arith.index_cast %parallel_loop3A_150 : i32 to index
      %parallel_loop3A_152 = arith.constant 32 : index
      %parallel_loop3A_153 = tpu.vector_load %arg7[%parallel_loop3A_151, %parallel_loop3A_152] {strides = array<i32>} : memref<64x128xf32, #tpu.memory_space<vmem>>, vector<16xf32>,
      tpu.vector_store %arg7[%parallel_loop3A_151, %parallel_loop3A_152], %parallel_loop3A_148 {strides = array<i32>} : memref<64x128xf32, #tpu.memory_space<vmem>>, vector<16xf32>,
      %parallel_loop3A_154 = arith.constant 32 : i32
      %parallel_loop3A_155 = arith.addi %parallel_loop3A_154, %parallel_loop3A_120 : i32
      %parallel_loop3A_156 = arith.index_cast %parallel_loop3A_155 : i32 to index
      %parallel_loop3A_157 = arith.constant 48 : index
      %parallel_loop3A_158 = tpu.vector_load %arg6[%parallel_loop3A_156, %parallel_loop3A_157] {strides = array<i32>} : memref<128x128xi32, #tpu.memory_space<vmem>>, vector<16xi32>,
      %parallel_loop3A_159 = tpu.vector_load_idx %arg5[%parallel_loop3A_158] : memref<100000xf32, #tpu.memory_space<vmem>>[vector<16xi32>], vector<16xf32>,
      %parallel_loop3A_160 = arith.constant 32 : i32
      %parallel_loop3A_161 = arith.addi %parallel_loop3A_160, %parallel_loop3A_120 : i32
      %parallel_loop3A_162 = arith.index_cast %parallel_loop3A_161 : i32 to index
      %parallel_loop3A_163 = arith.constant 48 : index
      %parallel_loop3A_164 = tpu.vector_load %arg7[%parallel_loop3A_162, %parallel_loop3A_163] {strides = array<i32>} : memref<64x128xf32, #tpu.memory_space<vmem>>, vector<16xf32>,
      tpu.vector_store %arg7[%parallel_loop3A_162, %parallel_loop3A_163], %parallel_loop3A_159 {strides = array<i32>} : memref<64x128xf32, #tpu.memory_space<vmem>>, vector<16xf32>,
      %parallel_loop3A_165 = arith.constant 32 : i32
      %parallel_loop3A_166 = arith.addi %parallel_loop3A_165, %parallel_loop3A_120 : i32
      %parallel_loop3A_167 = arith.index_cast %parallel_loop3A_166 : i32 to index
      %parallel_loop3A_168 = arith.constant 64 : index
      %parallel_loop3A_169 = tpu.vector_load %arg6[%parallel_loop3A_167, %parallel_loop3A_168] {strides = array<i32>} : memref<128x128xi32, #tpu.memory_space<vmem>>, vector<16xi32>,
      %parallel_loop3A_170 = tpu.vector_load_idx %arg5[%parallel_loop3A_169] : memref<100000xf32, #tpu.memory_space<vmem>>[vector<16xi32>], vector<16xf32>,
      %parallel_loop3A_171 = arith.constant 32 : i32
      %parallel_loop3A_172 = arith.addi %parallel_loop3A_171, %parallel_loop3A_120 : i32
      %parallel_loop3A_173 = arith.index_cast %parallel_loop3A_172 : i32 to index
      %parallel_loop3A_174 = arith.constant 64 : index
      %parallel_loop3A_175 = tpu.vector_load %arg7[%parallel_loop3A_173, %parallel_loop3A_174] {strides = array<i32>} : memref<64x128xf32, #tpu.memory_space<vmem>>, vector<16xf32>,
      tpu.vector_store %arg7[%parallel_loop3A_173, %parallel_loop3A_174], %parallel_loop3A_170 {strides = array<i32>} : memref<64x128xf32, #tpu.memory_space<vmem>>, vector<16xf32>,
      %parallel_loop3A_176 = arith.constant 32 : i32
      %parallel_loop3A_177 = arith.addi %parallel_loop3A_176, %parallel_loop3A_120 : i32
      %parallel_loop3A_178 = arith.index_cast %parallel_loop3A_177 : i32 to index
      %parallel_loop3A_179 = arith.constant 80 : index
      %parallel_loop3A_180 = tpu.vector_load %arg6[%parallel_loop3A_178, %parallel_loop3A_179] {strides = array<i32>} : memref<128x128xi32, #tpu.memory_space<vmem>>, vector<16xi32>,
      %parallel_loop3A_181 = tpu.vector_load_idx %arg5[%parallel_loop3A_180] : memref<100000xf32, #tpu.memory_space<vmem>>[vector<16xi32>], vector<16xf32>,
      %parallel_loop3A_182 = arith.constant 32 : i32
      %parallel_loop3A_183 = arith.addi %parallel_loop3A_182, %parallel_loop3A_120 : i32
      %parallel_loop3A_184 = arith.index_cast %parallel_loop3A_183 : i32 to index
      %parallel_loop3A_185 = arith.constant 80 : index
      %parallel_loop3A_186 = tpu.vector_load %arg7[%parallel_loop3A_184, %parallel_loop3A_185] {strides = array<i32>} : memref<64x128xf32, #tpu.memory_space<vmem>>, vector<16xf32>,
      tpu.vector_store %arg7[%parallel_loop3A_184, %parallel_loop3A_185], %parallel_loop3A_181 {strides = array<i32>} : memref<64x128xf32, #tpu.memory_space<vmem>>, vector<16xf32>,
      %parallel_loop3A_187 = arith.constant 32 : i32
      %parallel_loop3A_188 = arith.addi %parallel_loop3A_187, %parallel_loop3A_120 : i32
      %parallel_loop3A_189 = arith.index_cast %parallel_loop3A_188 : i32 to index
      %parallel_loop3A_190 = arith.constant 96 : index
      %parallel_loop3A_191 = tpu.vector_load %arg6[%parallel_loop3A_189, %parallel_loop3A_190] {strides = array<i32>} : memref<128x128xi32, #tpu.memory_space<vmem>>, vector<16xi32>,
      %parallel_loop3A_192 = tpu.vector_load_idx %arg5[%parallel_loop3A_191] : memref<100000xf32, #tpu.memory_space<vmem>>[vector<16xi32>], vector<16xf32>,
      %parallel_loop3A_193 = arith.constant 32 : i32
      %parallel_loop3A_194 = arith.addi %parallel_loop3A_193, %parallel_loop3A_120 : i32
      %parallel_loop3A_195 = arith.index_cast %parallel_loop3A_194 : i32 to index
      %parallel_loop3A_196 = arith.constant 96 : index
      %parallel_loop3A_197 = tpu.vector_load %arg7[%parallel_loop3A_195, %parallel_loop3A_196] {strides = array<i32>} : memref<64x128xf32, #tpu.memory_space<vmem>>, vector<16xf32>,
      tpu.vector_store %arg7[%parallel_loop3A_195, %parallel_loop3A_196], %parallel_loop3A_192 {strides = array<i32>} : memref<64x128xf32, #tpu.memory_space<vmem>>, vector<16xf32>,
      %parallel_loop3A_198 = arith.constant 32 : i32
      %parallel_loop3A_199 = arith.addi %parallel_loop3A_198, %parallel_loop3A_120 : i32
      %parallel_loop3A_200 = arith.index_cast %parallel_loop3A_199 : i32 to index
      %parallel_loop3A_201 = arith.constant 112 : index
      %parallel_loop3A_202 = tpu.vector_load %arg6[%parallel_loop3A_200, %parallel_loop3A_201] {strides = array<i32>} : memref<128x128xi32, #tpu.memory_space<vmem>>, vector<16xi32>,
      %parallel_loop3A_203 = tpu.vector_load_idx %arg5[%parallel_loop3A_202] : memref<100000xf32, #tpu.memory_space<vmem>>[vector<16xi32>], vector<16xf32>,
      %parallel_loop3A_204 = arith.constant 32 : i32
      %parallel_loop3A_205 = arith.addi %parallel_loop3A_204, %parallel_loop3A_120 : i32
      %parallel_loop3A_206 = arith.index_cast %parallel_loop3A_205 : i32 to index
      %parallel_loop3A_207 = arith.constant 112 : index
      %parallel_loop3A_208 = tpu.vector_load %arg7[%parallel_loop3A_206, %parallel_loop3A_207] {strides = array<i32>} : memref<64x128xf32, #tpu.memory_space<vmem>>, vector<16xf32>,
      tpu.vector_store %arg7[%parallel_loop3A_206, %parallel_loop3A_207], %parallel_loop3A_203 {strides = array<i32>} : memref<64x128xf32, #tpu.memory_space<vmem>>, vector<16xf32>,
    } {sc.loop_unroll_factor = 2 : i64, sc.parallel_access}
    %mul3A_32 = arith.constant 128 : i32
    %mul3A_33 = arith.muli %add3A, %mul3A_32 : i32
    %add3A_34 = arith.constant 32 : i32
    %add3A_35 = arith.addi %mul3A_33, %add3A_34 : i32
    %dma_start3A_36 = arith.constant 32 : i32
    %dma_start3A_37 = arith.constant 0 : i32
    %dma_start3A_38 = tpu.memref_slice %arg7[%dma_start3A_36, %dma_start3A_37] : memref<64x128xf32, #tpu.memory_space<vmem>> -> memref<32x128xf32, #tpu.memory_space<vmem>>
    %dma_start3A_39 = arith.constant 0 : i32
    %dma_start3A_40 = tpu.memref_slice %arg4[%add3A_35, %dma_start3A_39] : memref<4096x128xf32, #tpu.memory_space<hbm>> -> memref<32x128xf32, #tpu.memory_space<hbm>>
    %dma_start3A_41 = arith.constant 0 : i32
    %dma_start3A_42 = tpu.memref_slice %arg4[%add3A_35, %dma_start3A_41] : memref<4096x128xf32, #tpu.memory_space<hbm>> -> memref<32x128xf32, #tpu.memory_space<hbm>>
    %dma_start3A_43 = arith.constant 32 : i32
    %dma_start3A_44 = arith.constant 0 : i32
    %dma_start3A_45 = tpu.memref_slice %arg7[%dma_start3A_43, %dma_start3A_44] : memref<64x128xf32, #tpu.memory_space<vmem>> -> memref<32x128xf32, #tpu.memory_space<vmem>>
    tpu.enqueue_dma source(%dma_start3A_45 : memref<32x128xf32, #tpu.memory_space<vmem>>) target(%dma_start3A_42 : memref<32x128xf32, #tpu.memory_space<hbm>>) target_semaphore(%arg11 : memref<!tpu.dma_semaphore, #tpu.memory_space<semaphore_mem>>)
    %dma_wait3A_46 = arith.constant 0 : i32
    %dma_wait3A_47 = arith.constant 0 : i32
    %dma_wait3A_48 = tpu.memref_slice %arg7[%dma_wait3A_46, %dma_wait3A_47] : memref<64x128xf32, #tpu.memory_space<vmem>> -> memref<32x128xf32, #tpu.memory_space<vmem>>
    %dma_wait3A_49 = arith.constant 0 : i32
    %dma_wait3A_50 = tpu.memref_slice %arg4[%add3A_18, %dma_wait3A_49] : memref<4096x128xf32, #tpu.memory_space<hbm>> -> memref<32x128xf32, #tpu.memory_space<hbm>>
    %dma_wait3A_51 = arith.constant 0 : i32
    %dma_wait3A_52 = tpu.memref_slice %arg4[%add3A_18, %dma_wait3A_51] : memref<4096x128xf32, #tpu.memory_space<hbm>> -> memref<32x128xf32, #tpu.memory_space<hbm>>
    %dma_wait3A_53 = arith.constant 0 : i32
    %dma_wait3A_54 = arith.constant 0 : i32
    %dma_wait3A_55 = tpu.memref_slice %arg7[%dma_wait3A_53, %dma_wait3A_54] : memref<64x128xf32, #tpu.memory_space<vmem>> -> memref<32x128xf32, #tpu.memory_space<vmem>>
    tpu.wait_dma2 semaphore(%arg11 : memref<!tpu.dma_semaphore, #tpu.memory_space<semaphore_mem>>) src(%dma_wait3A_55 : memref<32x128xf32, #tpu.memory_space<vmem>>) dst(%dma_wait3A_52 : memref<32x128xf32, #tpu.memory_space<hbm>>)
    %parallel_loop3A_56 = arith.constant 0 : i32
    %parallel_loop3A_57 = arith.constant 32 : i32
    %parallel_loop3A_58 = arith.constant 1 : i32
    scf.for %parallel_loop3A_120 = %parallel_loop3A_56 to %parallel_loop3A_57 step %parallel_loop3A_58  : i32 {
      %parallel_loop3A_121 = arith.constant 64 : i32
      %parallel_loop3A_122 = arith.addi %parallel_loop3A_121, %parallel_loop3A_120 : i32
      %parallel_loop3A_123 = arith.index_cast %parallel_loop3A_122 : i32 to index
      %parallel_loop3A_124 = arith.constant 0 : index
      %parallel_loop3A_125 = tpu.vector_load %arg6[%parallel_loop3A_123, %parallel_loop3A_124] {strides = array<i32>} : memref<128x128xi32, #tpu.memory_space<vmem>>, vector<16xi32>,
      %parallel_loop3A_126 = tpu.vector_load_idx %arg5[%parallel_loop3A_125] : memref<100000xf32, #tpu.memory_space<vmem>>[vector<16xi32>], vector<16xf32>,
      %parallel_loop3A_127 = arith.constant 0 : i32
      %parallel_loop3A_128 = arith.addi %parallel_loop3A_127, %parallel_loop3A_120 : i32
      %parallel_loop3A_129 = arith.index_cast %parallel_loop3A_128 : i32 to index
      %parallel_loop3A_130 = arith.constant 0 : index
      %parallel_loop3A_131 = tpu.vector_load %arg7[%parallel_loop3A_129, %parallel_loop3A_130] {strides = array<i32>} : memref<64x128xf32, #tpu.memory_space<vmem>>, vector<16xf32>,
      tpu.vector_store %arg7[%parallel_loop3A_129, %parallel_loop3A_130], %parallel_loop3A_126 {strides = array<i32>} : memref<64x128xf32, #tpu.memory_space<vmem>>, vector<16xf32>,
      %parallel_loop3A_132 = arith.constant 64 : i32
      %parallel_loop3A_133 = arith.addi %parallel_loop3A_132, %parallel_loop3A_120 : i32
      %parallel_loop3A_134 = arith.index_cast %parallel_loop3A_133 : i32 to index
      %parallel_loop3A_135 = arith.constant 16 : index
      %parallel_loop3A_136 = tpu.vector_load %arg6[%parallel_loop3A_134, %parallel_loop3A_135] {strides = array<i32>} : memref<128x128xi32, #tpu.memory_space<vmem>>, vector<16xi32>,
      %parallel_loop3A_137 = tpu.vector_load_idx %arg5[%parallel_loop3A_136] : memref<100000xf32, #tpu.memory_space<vmem>>[vector<16xi32>], vector<16xf32>,
      %parallel_loop3A_138 = arith.constant 0 : i32
      %parallel_loop3A_139 = arith.addi %parallel_loop3A_138, %parallel_loop3A_120 : i32
      %parallel_loop3A_140 = arith.index_cast %parallel_loop3A_139 : i32 to index
      %parallel_loop3A_141 = arith.constant 16 : index
      %parallel_loop3A_142 = tpu.vector_load %arg7[%parallel_loop3A_140, %parallel_loop3A_141] {strides = array<i32>} : memref<64x128xf32, #tpu.memory_space<vmem>>, vector<16xf32>,
      tpu.vector_store %arg7[%parallel_loop3A_140, %parallel_loop3A_141], %parallel_loop3A_137 {strides = array<i32>} : memref<64x128xf32, #tpu.memory_space<vmem>>, vector<16xf32>,
      %parallel_loop3A_143 = arith.constant 64 : i32
      %parallel_loop3A_144 = arith.addi %parallel_loop3A_143, %parallel_loop3A_120 : i32
      %parallel_loop3A_145 = arith.index_cast %parallel_loop3A_144 : i32 to index
      %parallel_loop3A_146 = arith.constant 32 : index
      %parallel_loop3A_147 = tpu.vector_load %arg6[%parallel_loop3A_145, %parallel_loop3A_146] {strides = array<i32>} : memref<128x128xi32, #tpu.memory_space<vmem>>, vector<16xi32>,
      %parallel_loop3A_148 = tpu.vector_load_idx %arg5[%parallel_loop3A_147] : memref<100000xf32, #tpu.memory_space<vmem>>[vector<16xi32>], vector<16xf32>,
      %parallel_loop3A_149 = arith.constant 0 : i32
      %parallel_loop3A_150 = arith.addi %parallel_loop3A_149, %parallel_loop3A_120 : i32
      %parallel_loop3A_151 = arith.index_cast %parallel_loop3A_150 : i32 to index
      %parallel_loop3A_152 = arith.constant 32 : index
      %parallel_loop3A_153 = tpu.vector_load %arg7[%parallel_loop3A_151, %parallel_loop3A_152] {strides = array<i32>} : memref<64x128xf32, #tpu.memory_space<vmem>>, vector<16xf32>,
      tpu.vector_store %arg7[%parallel_loop3A_151, %parallel_loop3A_152], %parallel_loop3A_148 {strides = array<i32>} : memref<64x128xf32, #tpu.memory_space<vmem>>, vector<16xf32>,
      %parallel_loop3A_154 = arith.constant 64 : i32
      %parallel_loop3A_155 = arith.addi %parallel_loop3A_154, %parallel_loop3A_120 : i32
      %parallel_loop3A_156 = arith.index_cast %parallel_loop3A_155 : i32 to index
      %parallel_loop3A_157 = arith.constant 48 : index
      %parallel_loop3A_158 = tpu.vector_load %arg6[%parallel_loop3A_156, %parallel_loop3A_157] {strides = array<i32>} : memref<128x128xi32, #tpu.memory_space<vmem>>, vector<16xi32>,
      %parallel_loop3A_159 = tpu.vector_load_idx %arg5[%parallel_loop3A_158] : memref<100000xf32, #tpu.memory_space<vmem>>[vector<16xi32>], vector<16xf32>,
      %parallel_loop3A_160 = arith.constant 0 : i32
      %parallel_loop3A_161 = arith.addi %parallel_loop3A_160, %parallel_loop3A_120 : i32
      %parallel_loop3A_162 = arith.index_cast %parallel_loop3A_161 : i32 to index
      %parallel_loop3A_163 = arith.constant 48 : index
      %parallel_loop3A_164 = tpu.vector_load %arg7[%parallel_loop3A_162, %parallel_loop3A_163] {strides = array<i32>} : memref<64x128xf32, #tpu.memory_space<vmem>>, vector<16xf32>,
      tpu.vector_store %arg7[%parallel_loop3A_162, %parallel_loop3A_163], %parallel_loop3A_159 {strides = array<i32>} : memref<64x128xf32, #tpu.memory_space<vmem>>, vector<16xf32>,
      %parallel_loop3A_165 = arith.constant 64 : i32
      %parallel_loop3A_166 = arith.addi %parallel_loop3A_165, %parallel_loop3A_120 : i32
      %parallel_loop3A_167 = arith.index_cast %parallel_loop3A_166 : i32 to index
      %parallel_loop3A_168 = arith.constant 64 : index
      %parallel_loop3A_169 = tpu.vector_load %arg6[%parallel_loop3A_167, %parallel_loop3A_168] {strides = array<i32>} : memref<128x128xi32, #tpu.memory_space<vmem>>, vector<16xi32>,
      %parallel_loop3A_170 = tpu.vector_load_idx %arg5[%parallel_loop3A_169] : memref<100000xf32, #tpu.memory_space<vmem>>[vector<16xi32>], vector<16xf32>,
      %parallel_loop3A_171 = arith.constant 0 : i32
      %parallel_loop3A_172 = arith.addi %parallel_loop3A_171, %parallel_loop3A_120 : i32
      %parallel_loop3A_173 = arith.index_cast %parallel_loop3A_172 : i32 to index
      %parallel_loop3A_174 = arith.constant 64 : index
      %parallel_loop3A_175 = tpu.vector_load %arg7[%parallel_loop3A_173, %parallel_loop3A_174] {strides = array<i32>} : memref<64x128xf32, #tpu.memory_space<vmem>>, vector<16xf32>,
      tpu.vector_store %arg7[%parallel_loop3A_173, %parallel_loop3A_174], %parallel_loop3A_170 {strides = array<i32>} : memref<64x128xf32, #tpu.memory_space<vmem>>, vector<16xf32>,
      %parallel_loop3A_176 = arith.constant 64 : i32
      %parallel_loop3A_177 = arith.addi %parallel_loop3A_176, %parallel_loop3A_120 : i32
      %parallel_loop3A_178 = arith.index_cast %parallel_loop3A_177 : i32 to index
      %parallel_loop3A_179 = arith.constant 80 : index
      %parallel_loop3A_180 = tpu.vector_load %arg6[%parallel_loop3A_178, %parallel_loop3A_179] {strides = array<i32>} : memref<128x128xi32, #tpu.memory_space<vmem>>, vector<16xi32>,
      %parallel_loop3A_181 = tpu.vector_load_idx %arg5[%parallel_loop3A_180] : memref<100000xf32, #tpu.memory_space<vmem>>[vector<16xi32>], vector<16xf32>,
      %parallel_loop3A_182 = arith.constant 0 : i32
      %parallel_loop3A_183 = arith.addi %parallel_loop3A_182, %parallel_loop3A_120 : i32
      %parallel_loop3A_184 = arith.index_cast %parallel_loop3A_183 : i32 to index
      %parallel_loop3A_185 = arith.constant 80 : index
      %parallel_loop3A_186 = tpu.vector_load %arg7[%parallel_loop3A_184, %parallel_loop3A_185] {strides = array<i32>} : memref<64x128xf32, #tpu.memory_space<vmem>>, vector<16xf32>,
      tpu.vector_store %arg7[%parallel_loop3A_184, %parallel_loop3A_185], %parallel_loop3A_181 {strides = array<i32>} : memref<64x128xf32, #tpu.memory_space<vmem>>, vector<16xf32>,
      %parallel_loop3A_187 = arith.constant 64 : i32
      %parallel_loop3A_188 = arith.addi %parallel_loop3A_187, %parallel_loop3A_120 : i32
      %parallel_loop3A_189 = arith.index_cast %parallel_loop3A_188 : i32 to index
      %parallel_loop3A_190 = arith.constant 96 : index
      %parallel_loop3A_191 = tpu.vector_load %arg6[%parallel_loop3A_189, %parallel_loop3A_190] {strides = array<i32>} : memref<128x128xi32, #tpu.memory_space<vmem>>, vector<16xi32>,
      %parallel_loop3A_192 = tpu.vector_load_idx %arg5[%parallel_loop3A_191] : memref<100000xf32, #tpu.memory_space<vmem>>[vector<16xi32>], vector<16xf32>,
      %parallel_loop3A_193 = arith.constant 0 : i32
      %parallel_loop3A_194 = arith.addi %parallel_loop3A_193, %parallel_loop3A_120 : i32
      %parallel_loop3A_195 = arith.index_cast %parallel_loop3A_194 : i32 to index
      %parallel_loop3A_196 = arith.constant 96 : index
      %parallel_loop3A_197 = tpu.vector_load %arg7[%parallel_loop3A_195, %parallel_loop3A_196] {strides = array<i32>} : memref<64x128xf32, #tpu.memory_space<vmem>>, vector<16xf32>,
      tpu.vector_store %arg7[%parallel_loop3A_195, %parallel_loop3A_196], %parallel_loop3A_192 {strides = array<i32>} : memref<64x128xf32, #tpu.memory_space<vmem>>, vector<16xf32>,
      %parallel_loop3A_198 = arith.constant 64 : i32
      %parallel_loop3A_199 = arith.addi %parallel_loop3A_198, %parallel_loop3A_120 : i32
      %parallel_loop3A_200 = arith.index_cast %parallel_loop3A_199 : i32 to index
      %parallel_loop3A_201 = arith.constant 112 : index
      %parallel_loop3A_202 = tpu.vector_load %arg6[%parallel_loop3A_200, %parallel_loop3A_201] {strides = array<i32>} : memref<128x128xi32, #tpu.memory_space<vmem>>, vector<16xi32>,
      %parallel_loop3A_203 = tpu.vector_load_idx %arg5[%parallel_loop3A_202] : memref<100000xf32, #tpu.memory_space<vmem>>[vector<16xi32>], vector<16xf32>,
      %parallel_loop3A_204 = arith.constant 0 : i32
      %parallel_loop3A_205 = arith.addi %parallel_loop3A_204, %parallel_loop3A_120 : i32
      %parallel_loop3A_206 = arith.index_cast %parallel_loop3A_205 : i32 to index
      %parallel_loop3A_207 = arith.constant 112 : index
      %parallel_loop3A_208 = tpu.vector_load %arg7[%parallel_loop3A_206, %parallel_loop3A_207] {strides = array<i32>} : memref<64x128xf32, #tpu.memory_space<vmem>>, vector<16xf32>,
      tpu.vector_store %arg7[%parallel_loop3A_206, %parallel_loop3A_207], %parallel_loop3A_203 {strides = array<i32>} : memref<64x128xf32, #tpu.memory_space<vmem>>, vector<16xf32>,
    } {sc.loop_unroll_factor = 2 : i64, sc.parallel_access}
    %mul3A_59 = arith.constant 128 : i32
    %mul3A_60 = arith.muli %add3A, %mul3A_59 : i32
    %add3A_61 = arith.constant 64 : i32
    %add3A_62 = arith.addi %mul3A_60, %add3A_61 : i32
    %dma_start3A_63 = arith.constant 0 : i32
    %dma_start3A_64 = arith.constant 0 : i32
    %dma_start3A_65 = tpu.memref_slice %arg7[%dma_start3A_63, %dma_start3A_64] : memref<64x128xf32, #tpu.memory_space<vmem>> -> memref<32x128xf32, #tpu.memory_space<vmem>>
    %dma_start3A_66 = arith.constant 0 : i32
    %dma_start3A_67 = tpu.memref_slice %arg4[%add3A_62, %dma_start3A_66] : memref<4096x128xf32, #tpu.memory_space<hbm>> -> memref<32x128xf32, #tpu.memory_space<hbm>>
    %dma_start3A_68 = arith.constant 0 : i32
    %dma_start3A_69 = tpu.memref_slice %arg4[%add3A_62, %dma_start3A_68] : memref<4096x128xf32, #tpu.memory_space<hbm>> -> memref<32x128xf32, #tpu.memory_space<hbm>>
    %dma_start3A_70 = arith.constant 0 : i32
    %dma_start3A_71 = arith.constant 0 : i32
    %dma_start3A_72 = tpu.memref_slice %arg7[%dma_start3A_70, %dma_start3A_71] : memref<64x128xf32, #tpu.memory_space<vmem>> -> memref<32x128xf32, #tpu.memory_space<vmem>>
    tpu.enqueue_dma source(%dma_start3A_72 : memref<32x128xf32, #tpu.memory_space<vmem>>) target(%dma_start3A_69 : memref<32x128xf32, #tpu.memory_space<hbm>>) target_semaphore(%arg11 : memref<!tpu.dma_semaphore, #tpu.memory_space<semaphore_mem>>)
    %dma_wait3A_73 = arith.constant 32 : i32
    %dma_wait3A_74 = arith.constant 0 : i32
    %dma_wait3A_75 = tpu.memref_slice %arg7[%dma_wait3A_73, %dma_wait3A_74] : memref<64x128xf32, #tpu.memory_space<vmem>> -> memref<32x128xf32, #tpu.memory_space<vmem>>
    %dma_wait3A_76 = arith.constant 0 : i32
    %dma_wait3A_77 = tpu.memref_slice %arg4[%add3A_35, %dma_wait3A_76] : memref<4096x128xf32, #tpu.memory_space<hbm>> -> memref<32x128xf32, #tpu.memory_space<hbm>>
    %dma_wait3A_78 = arith.constant 0 : i32
    %dma_wait3A_79 = tpu.memref_slice %arg4[%add3A_35, %dma_wait3A_78] : memref<4096x128xf32, #tpu.memory_space<hbm>> -> memref<32x128xf32, #tpu.memory_space<hbm>>
    %dma_wait3A_80 = arith.constant 32 : i32
    %dma_wait3A_81 = arith.constant 0 : i32
    %dma_wait3A_82 = tpu.memref_slice %arg7[%dma_wait3A_80, %dma_wait3A_81] : memref<64x128xf32, #tpu.memory_space<vmem>> -> memref<32x128xf32, #tpu.memory_space<vmem>>
    tpu.wait_dma2 semaphore(%arg11 : memref<!tpu.dma_semaphore, #tpu.memory_space<semaphore_mem>>) src(%dma_wait3A_82 : memref<32x128xf32, #tpu.memory_space<vmem>>) dst(%dma_wait3A_79 : memref<32x128xf32, #tpu.memory_space<hbm>>)
    %parallel_loop3A_83 = arith.constant 0 : i32
    %parallel_loop3A_84 = arith.constant 32 : i32
    %parallel_loop3A_85 = arith.constant 1 : i32
    scf.for %parallel_loop3A_120 = %parallel_loop3A_83 to %parallel_loop3A_84 step %parallel_loop3A_85  : i32 {
      %parallel_loop3A_121 = arith.constant 96 : i32
      %parallel_loop3A_122 = arith.addi %parallel_loop3A_121, %parallel_loop3A_120 : i32
      %parallel_loop3A_123 = arith.index_cast %parallel_loop3A_122 : i32 to index
      %parallel_loop3A_124 = arith.constant 0 : index
      %parallel_loop3A_125 = tpu.vector_load %arg6[%parallel_loop3A_123, %parallel_loop3A_124] {strides = array<i32>} : memref<128x128xi32, #tpu.memory_space<vmem>>, vector<16xi32>,
      %parallel_loop3A_126 = tpu.vector_load_idx %arg5[%parallel_loop3A_125] : memref<100000xf32, #tpu.memory_space<vmem>>[vector<16xi32>], vector<16xf32>,
      %parallel_loop3A_127 = arith.constant 32 : i32
      %parallel_loop3A_128 = arith.addi %parallel_loop3A_127, %parallel_loop3A_120 : i32
      %parallel_loop3A_129 = arith.index_cast %parallel_loop3A_128 : i32 to index
      %parallel_loop3A_130 = arith.constant 0 : index
      %parallel_loop3A_131 = tpu.vector_load %arg7[%parallel_loop3A_129, %parallel_loop3A_130] {strides = array<i32>} : memref<64x128xf32, #tpu.memory_space<vmem>>, vector<16xf32>,
      tpu.vector_store %arg7[%parallel_loop3A_129, %parallel_loop3A_130], %parallel_loop3A_126 {strides = array<i32>} : memref<64x128xf32, #tpu.memory_space<vmem>>, vector<16xf32>,
      %parallel_loop3A_132 = arith.constant 96 : i32
      %parallel_loop3A_133 = arith.addi %parallel_loop3A_132, %parallel_loop3A_120 : i32
      %parallel_loop3A_134 = arith.index_cast %parallel_loop3A_133 : i32 to index
      %parallel_loop3A_135 = arith.constant 16 : index
      %parallel_loop3A_136 = tpu.vector_load %arg6[%parallel_loop3A_134, %parallel_loop3A_135] {strides = array<i32>} : memref<128x128xi32, #tpu.memory_space<vmem>>, vector<16xi32>,
      %parallel_loop3A_137 = tpu.vector_load_idx %arg5[%parallel_loop3A_136] : memref<100000xf32, #tpu.memory_space<vmem>>[vector<16xi32>], vector<16xf32>,
      %parallel_loop3A_138 = arith.constant 32 : i32
      %parallel_loop3A_139 = arith.addi %parallel_loop3A_138, %parallel_loop3A_120 : i32
      %parallel_loop3A_140 = arith.index_cast %parallel_loop3A_139 : i32 to index
      %parallel_loop3A_141 = arith.constant 16 : index
      %parallel_loop3A_142 = tpu.vector_load %arg7[%parallel_loop3A_140, %parallel_loop3A_141] {strides = array<i32>} : memref<64x128xf32, #tpu.memory_space<vmem>>, vector<16xf32>,
      tpu.vector_store %arg7[%parallel_loop3A_140, %parallel_loop3A_141], %parallel_loop3A_137 {strides = array<i32>} : memref<64x128xf32, #tpu.memory_space<vmem>>, vector<16xf32>,
      %parallel_loop3A_143 = arith.constant 96 : i32
      %parallel_loop3A_144 = arith.addi %parallel_loop3A_143, %parallel_loop3A_120 : i32
      %parallel_loop3A_145 = arith.index_cast %parallel_loop3A_144 : i32 to index
      %parallel_loop3A_146 = arith.constant 32 : index
      %parallel_loop3A_147 = tpu.vector_load %arg6[%parallel_loop3A_145, %parallel_loop3A_146] {strides = array<i32>} : memref<128x128xi32, #tpu.memory_space<vmem>>, vector<16xi32>,
      %parallel_loop3A_148 = tpu.vector_load_idx %arg5[%parallel_loop3A_147] : memref<100000xf32, #tpu.memory_space<vmem>>[vector<16xi32>], vector<16xf32>,
      %parallel_loop3A_149 = arith.constant 32 : i32
      %parallel_loop3A_150 = arith.addi %parallel_loop3A_149, %parallel_loop3A_120 : i32
      %parallel_loop3A_151 = arith.index_cast %parallel_loop3A_150 : i32 to index
      %parallel_loop3A_152 = arith.constant 32 : index
      %parallel_loop3A_153 = tpu.vector_load %arg7[%parallel_loop3A_151, %parallel_loop3A_152] {strides = array<i32>} : memref<64x128xf32, #tpu.memory_space<vmem>>, vector<16xf32>,
      tpu.vector_store %arg7[%parallel_loop3A_151, %parallel_loop3A_152], %parallel_loop3A_148 {strides = array<i32>} : memref<64x128xf32, #tpu.memory_space<vmem>>, vector<16xf32>,
      %parallel_loop3A_154 = arith.constant 96 : i32
      %parallel_loop3A_155 = arith.addi %parallel_loop3A_154, %parallel_loop3A_120 : i32
      %parallel_loop3A_156 = arith.index_cast %parallel_loop3A_155 : i32 to index
      %parallel_loop3A_157 = arith.constant 48 : index
      %parallel_loop3A_158 = tpu.vector_load %arg6[%parallel_loop3A_156, %parallel_loop3A_157] {strides = array<i32>} : memref<128x128xi32, #tpu.memory_space<vmem>>, vector<16xi32>,
      %parallel_loop3A_159 = tpu.vector_load_idx %arg5[%parallel_loop3A_158] : memref<100000xf32, #tpu.memory_space<vmem>>[vector<16xi32>], vector<16xf32>,
      %parallel_loop3A_160 = arith.constant 32 : i32
      %parallel_loop3A_161 = arith.addi %parallel_loop3A_160, %parallel_loop3A_120 : i32
      %parallel_loop3A_162 = arith.index_cast %parallel_loop3A_161 : i32 to index
      %parallel_loop3A_163 = arith.constant 48 : index
      %parallel_loop3A_164 = tpu.vector_load %arg7[%parallel_loop3A_162, %parallel_loop3A_163] {strides = array<i32>} : memref<64x128xf32, #tpu.memory_space<vmem>>, vector<16xf32>,
      tpu.vector_store %arg7[%parallel_loop3A_162, %parallel_loop3A_163], %parallel_loop3A_159 {strides = array<i32>} : memref<64x128xf32, #tpu.memory_space<vmem>>, vector<16xf32>,
      %parallel_loop3A_165 = arith.constant 96 : i32
      %parallel_loop3A_166 = arith.addi %parallel_loop3A_165, %parallel_loop3A_120 : i32
      %parallel_loop3A_167 = arith.index_cast %parallel_loop3A_166 : i32 to index
      %parallel_loop3A_168 = arith.constant 64 : index
      %parallel_loop3A_169 = tpu.vector_load %arg6[%parallel_loop3A_167, %parallel_loop3A_168] {strides = array<i32>} : memref<128x128xi32, #tpu.memory_space<vmem>>, vector<16xi32>,
      %parallel_loop3A_170 = tpu.vector_load_idx %arg5[%parallel_loop3A_169] : memref<100000xf32, #tpu.memory_space<vmem>>[vector<16xi32>], vector<16xf32>,
      %parallel_loop3A_171 = arith.constant 32 : i32
      %parallel_loop3A_172 = arith.addi %parallel_loop3A_171, %parallel_loop3A_120 : i32
      %parallel_loop3A_173 = arith.index_cast %parallel_loop3A_172 : i32 to index
      %parallel_loop3A_174 = arith.constant 64 : index
      %parallel_loop3A_175 = tpu.vector_load %arg7[%parallel_loop3A_173, %parallel_loop3A_174] {strides = array<i32>} : memref<64x128xf32, #tpu.memory_space<vmem>>, vector<16xf32>,
      tpu.vector_store %arg7[%parallel_loop3A_173, %parallel_loop3A_174], %parallel_loop3A_170 {strides = array<i32>} : memref<64x128xf32, #tpu.memory_space<vmem>>, vector<16xf32>,
      %parallel_loop3A_176 = arith.constant 96 : i32
      %parallel_loop3A_177 = arith.addi %parallel_loop3A_176, %parallel_loop3A_120 : i32
      %parallel_loop3A_178 = arith.index_cast %parallel_loop3A_177 : i32 to index
      %parallel_loop3A_179 = arith.constant 80 : index
      %parallel_loop3A_180 = tpu.vector_load %arg6[%parallel_loop3A_178, %parallel_loop3A_179] {strides = array<i32>} : memref<128x128xi32, #tpu.memory_space<vmem>>, vector<16xi32>,
      %parallel_loop3A_181 = tpu.vector_load_idx %arg5[%parallel_loop3A_180] : memref<100000xf32, #tpu.memory_space<vmem>>[vector<16xi32>], vector<16xf32>,
      %parallel_loop3A_182 = arith.constant 32 : i32
      %parallel_loop3A_183 = arith.addi %parallel_loop3A_182, %parallel_loop3A_120 : i32
      %parallel_loop3A_184 = arith.index_cast %parallel_loop3A_183 : i32 to index
      %parallel_loop3A_185 = arith.constant 80 : index
      %parallel_loop3A_186 = tpu.vector_load %arg7[%parallel_loop3A_184, %parallel_loop3A_185] {strides = array<i32>} : memref<64x128xf32, #tpu.memory_space<vmem>>, vector<16xf32>,
      tpu.vector_store %arg7[%parallel_loop3A_184, %parallel_loop3A_185], %parallel_loop3A_181 {strides = array<i32>} : memref<64x128xf32, #tpu.memory_space<vmem>>, vector<16xf32>,
      %parallel_loop3A_187 = arith.constant 96 : i32
      %parallel_loop3A_188 = arith.addi %parallel_loop3A_187, %parallel_loop3A_120 : i32
      %parallel_loop3A_189 = arith.index_cast %parallel_loop3A_188 : i32 to index
      %parallel_loop3A_190 = arith.constant 96 : index
      %parallel_loop3A_191 = tpu.vector_load %arg6[%parallel_loop3A_189, %parallel_loop3A_190] {strides = array<i32>} : memref<128x128xi32, #tpu.memory_space<vmem>>, vector<16xi32>,
      %parallel_loop3A_192 = tpu.vector_load_idx %arg5[%parallel_loop3A_191] : memref<100000xf32, #tpu.memory_space<vmem>>[vector<16xi32>], vector<16xf32>,
      %parallel_loop3A_193 = arith.constant 32 : i32
      %parallel_loop3A_194 = arith.addi %parallel_loop3A_193, %parallel_loop3A_120 : i32
      %parallel_loop3A_195 = arith.index_cast %parallel_loop3A_194 : i32 to index
      %parallel_loop3A_196 = arith.constant 96 : index
      %parallel_loop3A_197 = tpu.vector_load %arg7[%parallel_loop3A_195, %parallel_loop3A_196] {strides = array<i32>} : memref<64x128xf32, #tpu.memory_space<vmem>>, vector<16xf32>,
      tpu.vector_store %arg7[%parallel_loop3A_195, %parallel_loop3A_196], %parallel_loop3A_192 {strides = array<i32>} : memref<64x128xf32, #tpu.memory_space<vmem>>, vector<16xf32>,
      %parallel_loop3A_198 = arith.constant 96 : i32
      %parallel_loop3A_199 = arith.addi %parallel_loop3A_198, %parallel_loop3A_120 : i32
      %parallel_loop3A_200 = arith.index_cast %parallel_loop3A_199 : i32 to index
      %parallel_loop3A_201 = arith.constant 112 : index
      %parallel_loop3A_202 = tpu.vector_load %arg6[%parallel_loop3A_200, %parallel_loop3A_201] {strides = array<i32>} : memref<128x128xi32, #tpu.memory_space<vmem>>, vector<16xi32>,
      %parallel_loop3A_203 = tpu.vector_load_idx %arg5[%parallel_loop3A_202] : memref<100000xf32, #tpu.memory_space<vmem>>[vector<16xi32>], vector<16xf32>,
      %parallel_loop3A_204 = arith.constant 32 : i32
      %parallel_loop3A_205 = arith.addi %parallel_loop3A_204, %parallel_loop3A_120 : i32
      %parallel_loop3A_206 = arith.index_cast %parallel_loop3A_205 : i32 to index
      %parallel_loop3A_207 = arith.constant 112 : index
      %parallel_loop3A_208 = tpu.vector_load %arg7[%parallel_loop3A_206, %parallel_loop3A_207] {strides = array<i32>} : memref<64x128xf32, #tpu.memory_space<vmem>>, vector<16xf32>,
      tpu.vector_store %arg7[%parallel_loop3A_206, %parallel_loop3A_207], %parallel_loop3A_203 {strides = array<i32>} : memref<64x128xf32, #tpu.memory_space<vmem>>, vector<16xf32>,
    } {sc.loop_unroll_factor = 2 : i64, sc.parallel_access}
    %mul3A_86 = arith.constant 128 : i32
    %mul3A_87 = arith.muli %add3A, %mul3A_86 : i32
    %add3A_88 = arith.constant 96 : i32
    %add3A_89 = arith.addi %mul3A_87, %add3A_88 : i32
    %dma_start3A_90 = arith.constant 32 : i32
    %dma_start3A_91 = arith.constant 0 : i32
    %dma_start3A_92 = tpu.memref_slice %arg7[%dma_start3A_90, %dma_start3A_91] : memref<64x128xf32, #tpu.memory_space<vmem>> -> memref<32x128xf32, #tpu.memory_space<vmem>>
    %dma_start3A_93 = arith.constant 0 : i32
    %dma_start3A_94 = tpu.memref_slice %arg4[%add3A_89, %dma_start3A_93] : memref<4096x128xf32, #tpu.memory_space<hbm>> -> memref<32x128xf32, #tpu.memory_space<hbm>>
    %dma_start3A_95 = arith.constant 0 : i32
    %dma_start3A_96 = tpu.memref_slice %arg4[%add3A_89, %dma_start3A_95] : memref<4096x128xf32, #tpu.memory_space<hbm>> -> memref<32x128xf32, #tpu.memory_space<hbm>>
    %dma_start3A_97 = arith.constant 32 : i32
    %dma_start3A_98 = arith.constant 0 : i32
    %dma_start3A_99 = tpu.memref_slice %arg7[%dma_start3A_97, %dma_start3A_98] : memref<64x128xf32, #tpu.memory_space<vmem>> -> memref<32x128xf32, #tpu.memory_space<vmem>>
    tpu.enqueue_dma source(%dma_start3A_99 : memref<32x128xf32, #tpu.memory_space<vmem>>) target(%dma_start3A_96 : memref<32x128xf32, #tpu.memory_space<hbm>>) target_semaphore(%arg11 : memref<!tpu.dma_semaphore, #tpu.memory_space<semaphore_mem>>)
    %dma_wait3A_100 = arith.constant 0 : i32
    %dma_wait3A_101 = arith.constant 0 : i32
    %dma_wait3A_102 = tpu.memref_slice %arg7[%dma_wait3A_100, %dma_wait3A_101] : memref<64x128xf32, #tpu.memory_space<vmem>> -> memref<32x128xf32, #tpu.memory_space<vmem>>
    %dma_wait3A_103 = arith.constant 0 : i32
    %dma_wait3A_104 = tpu.memref_slice %arg4[%add3A_62, %dma_wait3A_103] : memref<4096x128xf32, #tpu.memory_space<hbm>> -> memref<32x128xf32, #tpu.memory_space<hbm>>
    %dma_wait3A_105 = arith.constant 0 : i32
    %dma_wait3A_106 = tpu.memref_slice %arg4[%add3A_62, %dma_wait3A_105] : memref<4096x128xf32, #tpu.memory_space<hbm>> -> memref<32x128xf32, #tpu.memory_space<hbm>>
    %dma_wait3A_107 = arith.constant 0 : i32
    %dma_wait3A_108 = arith.constant 0 : i32
    %dma_wait3A_109 = tpu.memref_slice %arg7[%dma_wait3A_107, %dma_wait3A_108] : memref<64x128xf32, #tpu.memory_space<vmem>> -> memref<32x128xf32, #tpu.memory_space<vmem>>
    tpu.wait_dma2 semaphore(%arg11 : memref<!tpu.dma_semaphore, #tpu.memory_space<semaphore_mem>>) src(%dma_wait3A_109 : memref<32x128xf32, #tpu.memory_space<vmem>>) dst(%dma_wait3A_106 : memref<32x128xf32, #tpu.memory_space<hbm>>)
    %dma_wait3A_110 = arith.constant 32 : i32
    %dma_wait3A_111 = arith.constant 0 : i32
    %dma_wait3A_112 = tpu.memref_slice %arg7[%dma_wait3A_110, %dma_wait3A_111] : memref<64x128xf32, #tpu.memory_space<vmem>> -> memref<32x128xf32, #tpu.memory_space<vmem>>
    %dma_wait3A_113 = arith.constant 0 : i32
    %dma_wait3A_114 = tpu.memref_slice %arg4[%add3A_89, %dma_wait3A_113] : memref<4096x128xf32, #tpu.memory_space<hbm>> -> memref<32x128xf32, #tpu.memory_space<hbm>>
    %dma_wait3A_115 = arith.constant 0 : i32
    %dma_wait3A_116 = tpu.memref_slice %arg4[%add3A_89, %dma_wait3A_115] : memref<4096x128xf32, #tpu.memory_space<hbm>> -> memref<32x128xf32, #tpu.memory_space<hbm>>
    %dma_wait3A_117 = arith.constant 32 : i32
    %dma_wait3A_118 = arith.constant 0 : i32
    %dma_wait3A_119 = tpu.memref_slice %arg7[%dma_wait3A_117, %dma_wait3A_118] : memref<64x128xf32, #tpu.memory_space<vmem>> -> memref<32x128xf32, #tpu.memory_space<vmem>>
    tpu.wait_dma2 semaphore(%arg11 : memref<!tpu.dma_semaphore, #tpu.memory_space<semaphore_mem>>) src(%dma_wait3A_119 : memref<32x128xf32, #tpu.memory_space<vmem>>) dst(%dma_wait3A_116 : memref<32x128xf32, #tpu.memory_space<hbm>>)
    return
  }
}

</mosaic_0001>

<sc_bundles>
// kernel: _lookup.3.cloned.1.call-start
scs
__scs_entry_jumppad:
0x0: {  	(pc) =	sbr.rel $0x88, $3  }
0x1: {  	(tag) =	ssettag $0x0;
	lr =	simm.s32 $0x1  }
0x2: {  	[smem:$0x3F9F] =	sst lr;
	_ =	strace $0xD0000000  }
0x3: {  	_ = 	snop  }
0x4: {  	_ = 	snop  }
0x5: {  	_ = 	snop  }
0x6: {  	_ = 	snop  }
0x7: {  	_ = 	snop  }
__scs_overlays_trampoline_lowered:
0x8: {  	[smem:$0x3FAE] =	sst s0  }
0x9: {  	[smem:$0x3FAF] =	sst s1  }
0xa: {  	[smem:$0x3FB0] =	sst s2  }
0xb: {  	[smem:$0x3FB1] =	sst s3  }
0xc: {  	[smem:$0x3FB2] =	sst s4  }
0xd: {  	[smem:$0x3FB3] =	sst s5  }
0xe: {  	[smem:$0x3FB4] =	sst s6  }
0xf: {  	[smem:$0x3FB5] =	sst s7  }
0x10: {  	[smem:$0x3FB6] =	sst s8  }
0x11: {  	[smem:$0x3FB7] =	sst s9;
	s0 =	simm.s32 @!p0 $0x0  }
0x12: {  	s1 =	sld [smem:$0x3F9D];
	s0 =	simm.s32 @p0 $0x1  }
0x13: {  	[smem:$0x3FB8] =	sst s0;
	s0 =	simm.s32 @!p1 $0x0  }
0x14: {  	s2 =	sld [smem:$0x3F9C];
	s0 =	simm.s32 @p1 $0x1  }
0x15: {  	[smem:$0x3FB9] =	sst s0;
	s0 =	simm.s32 @!p2 $0x0  }
0x16: {  	s3 =	sld [smem:$0x3FDB];
	s0 =	simm.s32 @p2 $0x1  }
0x17: {  	s4 =	simm.s32 $0x1BF5;
	[smem:$0x3FBB] =	sst s0  }
0x18: {  	s0 =	sld [smem:$0x3F9E];
	_ =	swait.ge [sflag:s4], $0x0  }
0x19: {  	s7 =	sld [smem:$0x3F9F]  }
0x1a: {  	s8 =	sadd.s32 $0xFFFFE003, lr  }
0x1b: {  	s9 =	sadd.s32 $0xFFFFFEF7, lr;
	s5 =	simm.s32 $0xFFFFFFFF;
	p2 =	slt.u32 s8, $0xFFFFF086  }
0x1c: {  	p1 =	slt.u32 s9, $0xF7A;
	s5 =	simm.s32 @!p2 $0x0  }
0x1d: {  	s5 =	simm.s32 @p1 $0x1;
	p0 =	seq.s32 s7, s2  }
0x1e: {  	s7 =	smul.u32 @!p0 $0xF7A, s2;
	p2 =	seq.s32 @!p0 s5, $0x0  }
0x1f: {  	s9 =	smul.u32 $0xF7A, s1;
	s8 =	simm.s32 @!p0 $0x1BF5;
	p2 =	por !p2, p0  }
0x20: {  	[sflag:s8] =	ssyncset.s32 @!p0 $0xFFFFF086;
	s6 =	sadd.s32 @!p0 s3, s7;
	s7 =	simm.s32 @!p0 $0x108  }
0x21: {  	s3 =	sadd.s32 s3, s9;
	s6 =	sadd.s32 @!p0 $0x88, s6;
	s7 =	simm.s32 @p2 $0x1082  }
0x22: {  	[simem:s7], [sflag:s8] =	dma.local @!p0 [hbm:s6], $0xF7A  }
0x23: {  	s9 =	sor.u32 $0xD0000000, s2;
	s6 =	simm.s32 $0x108;
	_ =	swait.ge @!p0 [sflag:s8], $0x0  }
0x24: {  	s3 =	sadd.s32 $0x88, s3;
	s6 =	simm.s32 @!p1 $0x1082;
	[sflag:s4] =	ssyncset.s32 $0xFFFFF086  }
0x25: {  	[simem:s6], [sflag:s4] =	dma.local [hbm:s3], $0xF7A  }
0x26: {  	[smem:$0x3F9F] =	sst s1;
	(tag) =	ssettag s2;
	_ =	strace s9  }
0x27: {  	s1 =	sld [smem:$0x3FAF]  }
0x28: {  	s2 =	sld [smem:$0x3FB0]  }
0x29: {  	s4 =	sld [smem:$0x3FB2]  }
0x2a: {  	p0 =	seq.s32 s5, $0x0;
	s5 =	sld [smem:$0x3FB3]  }
0x2b: {  	s6 =	sld [smem:$0x3FB4]  }
0x2c: {  	s7 =	sld [smem:$0x3FB5]  }
0x2d: {  	s3 =	simm.s32 $0x108;
	s8 =	sld [smem:$0x3FB6]  }
0x2e: {  	s3 =	simm.s32 @!p0 $0x1082;
	s9 =	sld [smem:$0x3FB7]  }
0x2f: {  	lr =	sadd.s32 s0, s3;
	s0 =	sld [smem:$0x3FAE]  }
0x30: {  	s3 =	sld [smem:$0x3FB1]  }
0x31: {  	[smem:$0x3FBA] =	sst s10  }
0x32: {  	s10 =	sld [smem:$0x3FB8];
	_ =	sdelay $0x3  }
0x33: {  	p0 =	seq.s32 s10, $0x1;
	s10 =	sld [smem:$0x3FBA];
	_ =	sdelay $0x3  }
0x34: {  	[smem:$0x3FBA] =	sst s10  }
0x35: {  	s10 =	sld [smem:$0x3FB9];
	_ =	sdelay $0x3  }
0x36: {  	p1 =	seq.s32 s10, $0x1;
	s10 =	sld [smem:$0x3FBA];
	_ =	sdelay $0x3  }
0x37: {  	[smem:$0x3FBA] =	sst s10  }
0x38: {  	s10 =	sld [smem:$0x3FBB]  }
0x39: {  	_ = 	snop;
	(pc) =	sbr.ind lr, $3  }
0x3a: {  	_ = 	snop  }
0x3b: {  	_ = 	snop  }
0x3c: {  	p2 =	seq.s32 s10, $0x1;
	s10 =	sld [smem:$0x3FBA]  }
0x3d: {  	_ =	shalt  }
0x3e: {  	_ =	shalt  }
0x3f: {  	_ =	shalt  }
0x40: {  	_ =	shalt  }
0x41: {  	_ =	shalt  }
0x42: {  	_ =	shalt  }
0x43: {  	_ =	shalt  }
0x44: {  	_ =	shalt  }
0x45: {  	_ =	shalt  }
0x46: {  	_ =	shalt  }
0x47: {  	_ =	shalt  }
0x48: {  	_ =	shalt  }
0x49: {  	_ =	shalt  }
0x4a: {  	_ =	shalt  }
0x4b: {  	_ =	shalt  }
0x4c: {  	_ =	shalt  }
0x4d: {  	_ =	shalt  }
0x4e: {  	_ =	shalt  }
0x4f: {  	_ =	shalt  }
0x50: {  	_ =	shalt  }
0x51: {  	_ =	shalt  }
0x52: {  	_ =	shalt  }
0x53: {  	_ =	shalt  }
0x54: {  	_ =	shalt  }
0x55: {  	_ =	shalt  }
0x56: {  	_ =	shalt  }
0x57: {  	_ =	shalt  }
0x58: {  	_ =	shalt  }
0x59: {  	_ =	shalt  }
0x5a: {  	_ =	shalt  }
0x5b: {  	_ =	shalt  }
0x5c: {  	_ =	shalt  }
0x5d: {  	_ =	shalt  }
0x5e: {  	_ =	shalt  }
0x5f: {  	_ =	shalt  }
0x60: {  	_ =	shalt  }
0x61: {  	_ =	shalt  }
0x62: {  	_ =	shalt  }
0x63: {  	_ =	shalt  }
0x64: {  	_ =	shalt  }
0x65: {  	_ =	shalt  }
0x66: {  	_ =	shalt  }
0x67: {  	_ =	shalt  }
0x68: {  	_ =	shalt  }
0x69: {  	_ =	shalt  }
0x6a: {  	_ =	shalt  }
0x6b: {  	_ =	shalt  }
0x6c: {  	_ =	shalt  }
0x6d: {  	_ =	shalt  }
0x6e: {  	_ =	shalt  }
0x6f: {  	_ =	shalt  }
0x70: {  	_ =	shalt  }
0x71: {  	_ =	shalt  }
0x72: {  	_ =	shalt  }
0x73: {  	_ =	shalt  }
0x74: {  	_ =	shalt  }
0x75: {  	_ =	shalt  }
0x76: {  	_ =	shalt  }
0x77: {  	_ =	shalt  }
0x78: {  	_ =	shalt  }
0x79: {  	_ =	shalt  }
0x7a: {  	_ =	shalt  }
0x7b: {  	_ =	shalt  }
0x7c: {  	_ =	shalt  }
0x7d: {  	_ =	shalt  }
0x7e: {  	_ =	shalt  }
0x7f: {  	_ =	shalt  }
0x80: {  	_ =	shalt  }
0x81: {  	_ =	shalt  }
0x82: {  	_ =	shalt  }
0x83: {  	_ =	shalt  }
0x84: {  	_ =	shalt  }
0x85: {  	_ =	shalt  }
0x86: {  	_ =	shalt  }
0x87: {  	_ =	shalt  }
.Lfunc_end0:
.L_simem_size_0:
called_computation_lowered:
.L_overlay_start_0:
0x88: {  	s2 =	sld [smem:$0x3FD9]  }
0x89: {  	s3 =	sld [smem:$0x3FFE];
	_ =	sdelay $0x1  }
0x8a: {  	s1 =	srdreg.scid  }
0x8b: {  	s0 =	sand.u32 $0x1, s1  }
0x8c: {  	s18 =	sshll.u32 s0, $0xA;
	s2 =	sadd.s32 s3, s2  }
0x8d: {  	s2 =	sadd.s32 s2, s18  }
0x8e: {  	[smem:$0x3FC6] =	sst s2  }
0x8f: {  	_ = 	snop  }
0x90: {  	s2 =	sld [smem:$0x3FC9]  }
0x91: {  	s19 =	sld [smem:$0x3FC8]  }
0x92: {  	s4 =	sld [smem:$0x3FD0];
	(tm) =	ssettm $0x1  }
0x93: {  	s5 =	sld [smem:$0x3FFB];
	_ =	sdelay $0x3  }
0x94: {  	_ =	strace s5  }
0x95: {  	s5 =	sld [smem:$0x3FFC];
	_ =	sdelay $0x3  }
0x96: {  	_ =	strace s5  }
0x97: {  	s5 =	sld [smem:$0x3FFD];
	_ =	sdelay $0x3  }
0x98: {  	_ =	strace s5  }
0x99: {  	_ =	strace $0x8FFFFFFF  }
0x9a: {  	s20 =	sld [smem:$0x3FDB];
	_ =	sdelay $0x1  }
0x9b: {  	s6 =	simm.s32 $_scs_section_size  }
0x9c: {  	s7 =	simm.s32 $_size__tile_overlayer_lowered;
	s8 =	simm.s32 $_tile_overlayer_lowered  }
0x9d: {  	s23 =	simm.s32 $0x1BFF;
	s22 =	sshll.u32 s8, $0x1;
	s5 =	sadd.s32 s6, s20  }
0x9e: {  	s9 =	simm.s32 $0x0;
	s21 =	sshll.u32 s7, $0x1;
	s7 =	sadd.s32 s22, s5  }
0x9f: {  	[timem:s9], [sflag:s23] =	dma.local [hbm:s7], s21  }
0xa0: {  	_ =	swait.ge [sflag:s23], s21  }
0xa1: {  	s6 =	ssub.s32 $0x0, s21;
	[sflag:s23] =	ssyncset.done $0x0  }
0xa2: {  	[sflag:s23] =	ssyncadd.s32 s6;
	_ =	sdelay $0x1  }
0xa3: {  	s24 =	simm.s32 $0x1B8B  }
0xa4: {  	_ =	swait.ge [sflag:s24], $0x1  }
0xa5: {  	[sflag:s24] =	ssyncset.done $0x0  }
0xa6: {  	s25 =	simm.s32 $0x1B8E;
	[sflag:s24] =	ssyncadd.s32 $0xFFFFFFFF  }
0xa7: {  	s26 =	simm.s32 $execute0_lowered;
	[smem:$0x3FD2] =	sst s25  }
0xa8: {  	s6 =	sshll.u32 s26, $0x1;
	_ =	strace $0x80000046;
	[dreg:$0x1] =	wrdreg $0xFFFFFFFF  }
0xa9: {  	s28 =	simm.s32 $_size_execute0_lowered;
	s5 =	sadd.s32 s5, s6;
	[dreg:$0x0] =	wrdreg $0x0  }
0xaa: {  	s6 =	sshll.u32 s28, $0x1;
	[dreg:$0x2] =	wrdreg s5  }
0xab: {  	[dreg:$0x3] =	wrdreg s6  }
0xac: {  	[dreg:$0x4] =	wrdreg $0xC0  }
0xad: {  	_ =	task [dreg:s9], $0x5FFFF  }
0xae: {  	[dreg:$0x1] =	wrdreg $0xFFFFFFFF  }
0xaf: {  	[dreg:$0x0] =	wrdreg $0x60  }
0xb0: {  	[dreg:$0x2] =	wrdreg s2  }
0xb1: {  	[dreg:$0x3] =	wrdreg s19  }
0xb2: {  	[dreg:$0x4] =	wrdreg s4  }
0xb3: {  	[dreg:$0x5] =	wrdreg $0x1E7000  }
0xb4: {  	[dreg:$0x6] =	wrdreg $0x9  }
0xb5: {  	_ =	task.clear_ibuf [dreg:s9], $0x7FFFF;
	_ =	strace $0x90000046  }
0xb6: {  	s29 =	simm.s32 $0x9;
	_ =	strace $0x80000048  }
0xb7: {  	_ =	swait.ge [sflag:s29], $0x1  }
0xb8: {  	[sflag:s29] =	ssyncadd.s32 $0xFFFFFFFF  }
0xb9: {  	_ =	strace $0x90000048  }
0xba: {  	_ =	sfence  }
0xbb: {  	s30 =	sld [smem:$0x0];
	_ =	sdelay $0x2  }
0xbc: {  	s31 =	sshll.u32 s1, $0xD;
	s1 =	sshrl.u32 s1, $0x2  }
0xbd: {  	s3 =	sand.u32 $0x4000, s31;
	s1 =	sadd.s32 s1, s30  }
0xbe: {  	s0 =	sor.u32 s3, s0;
	s1 =	sshll.u32 s1, $0x11  }
0xbf: {  	s0 =	sor.u32 s1, s0  }
0xc0: {  	s0 =	sadd.s32 $0x8F2B, s0  }
0xc1: {  	[sflag:s0] =	ssyncadd.remote.s32 $0x1  }
0xc2: {  	_ =	sfence.sel $0xFFFF  }
0xc3: {  	[dreg:$0x0] =	wrdreg $0xFFFFFFFF;
	(pc) =	sbr.abs _section_cstart, $3  }
0xc4: {  	[dreg:$0x1] =	wrdreg $0xFFFFFFFF  }
0xc5: {  	_ =	task.clear_ibuf [dreg:s9], $0x2FFFF;
	_ =	strace $0x9FFFFFFF  }
0xc6: {  	(tm) =	ssettm $0x7FFFFFFF  }
0xc7: {  	_ =	shalt  }
tec
execute0_lowered:
.L_overlay_start_1:
0x0: {  	(tag) =	ssettag $0x1  }
0x1: {  	s0 =	rddreg [dreg:$0x0]  }
0x2: {  	s4 =	rddreg [dreg:$0x1]  }
0x3: {  	s1 =	srdreg.scid;
	s6 =	rddreg [dreg:$0x2]  }
0x4: {  	s10 =	stileid.u32;
	s2 =	rddreg [dreg:$0x3];
	s3 =	simm.s32 $0x0  }
0x5: {  	s11 =	simm.s32 $0x400;
	s13 =	simm.s32 $0x18700;
	s14 =	simm.s32 $0x1  }
0x6: {  	s15 =	simm.s32 $0x2;
	s16 =	simm.s32 $0x1C700;
	s17 =	simm.s32 $0x1D700  }
0x7: {  	s18 =	simm.s32 $0x3;
	s19 =	simm.s32 $0x0;
	s5 =	sand.u32 $0x1, s1  }
0x8: {  	s9 =	sshll.u32 s10, $0x7;
	[smem:$0x7FF] =	sst s3;
	s1 =	sshll.u32 s5, $0x4  }
0x9: {  	p0 =	sne.s32 s10, $0x0;
	s9 =	sand.u32 $0x380, s9;
	s7 =	sor.u32 s10, s1  }
0xa: {  	s5 =	ssub.s32 $0x2, s5;
	s12 =	sshrl.u32 @!p0 s2, $0x3;
	s8 =	sshrl.u32 s7, $0x3  }
0xb: {  	s1 =	rddreg [dreg:$0x4];
	_ =	strace $0x80000047;
	s8 =	smul.u32 $0xC3800, s8  }
0xc: {  	s31 =	sshrl.u32 s5, $0x1;
	s10 =	simm.s32 $0x80;
	s7 =	sshll.u32 s7, $0xB  }
0xd: {  	s8 =	sor.u32 s9, s8;
	s9 =	ssub.s32 s5, s31;
	s5 =	sadd.s32 s6, s7  }
0xe: {  	s8 =	sshrl.u32 s8, $0x3;
	s6 =	sadd.s32 $0x200, s5;
	s7 =	sadd.s32 $0x400, s5  }
0xf: {  	s9 =	smax.u32 s9, $0x1;
	s4 =	sadd.s32 s4, s8;
	s8 =	sadd.s32 $0x600, s5  }
.LBB2_1:
0x10: {  	[tilespmem:s3], [sflag:$0x1] =	stream.strided.gather [hbm4b:s4+s10], $0x18700, s11, s10, $0x38;
	[tilespmem:$0x1EB00] =	vst v63  }
0x11: {  	s20 =	simm.s32 @!p0 $0x1C02  }
0x12: {  	[spmem:s12], [sflag:s20] =	dma.local @!p0 [hbm:s0], $0x800  }
0x13: {  	s20 =	simm.s32 @!p0 $0x2  }
0x14: {  	_ =	swait.ge @!p0 [sflag:s20], $0x800  }
0x15: {  	[sflag:s20] =	ssyncset.done @!p0 $0x0  }
0x16: {  	[sflag:s20] =	ssyncadd.s32 @!p0 $0xFFFFF800  }
0x17: {  	[bflag:$0x0] =	sbarrier.arrive $0xFFFF  }
0x18: {  	[tilespmem:s13], [sflag:$0x2] =	stream.linear.gather [spmem:s2], $0x4000, $0x38;
	[tilespmem:$0x1EB00] =	vst v63  }
0x19: {  	_ =	swait.ge [sflag:s14], $0x18700  }
0x1a: {  	[sflag:s14] =	ssyncset.done $0x0  }
0x1b: {  	[sflag:s14] =	ssyncadd.s32 $0xFFFE7900  }
0x1c: {  	_ =	swait.ge [sflag:s15], $0x4000  }
0x1d: {  	[sflag:s15] =	ssyncset.done $0x0  }
0x1e: {  	s28 =	simm.s32 $0x18780;
	[sflag:s15] =	ssyncadd.s32 $0xFFFFC000  }
0x1f: {  	v0 =	vld [tilespmem:s28+$0x0];
	_ =	sdelay $0x1  }
0x20: {  	v1 =	vld [tilespmem:s28+$0xFFFFFF80];
	_ =	sdelay $0x5  }
0x21: {  	v0 =	vld.idx.msk [tilespmem:v0+s3+$0x0], $0xffff;
	_ =	sdelay $0x1  }
0x22: {  	v1 =	vld.idx.msk [tilespmem:v1+s3+$0x0], $0xffff;
	_ =	sdelay $0x1  }
0x23: {  	s20 =	simm.s32 $0x1C780  }
0x24: {  	[tilespmem:s20+$0x0] =	vst v0  }
0x25: {  	v0 =	vld [tilespmem:s28+$0x10]  }
0x26: {  	[tilespmem:s20+$0xFFFFFF80] =	vst v1  }
0x27: {  	v1 =	vld [tilespmem:s28+$0xFFFFFF90];
	_ =	sdelay $0x3  }
0x28: {  	s22 =	simm.s32 $0x18880  }
0x29: {  	v2 =	vld [tilespmem:s22+$0x0]  }
0x2a: {  	v0 =	vld.idx.msk [tilespmem:v0+s3+$0x0], $0xffff;
	_ =	sdelay $0x1  }
0x2b: {  	v1 =	vld.idx.msk [tilespmem:v1+s3+$0x0], $0xffff;
	_ =	sdelay $0x2  }
0x2c: {  	[tilespmem:s20+$0x10] =	vst v0  }
0x2d: {  	v0 =	vld [tilespmem:s28+$0x20]  }
0x2e: {  	[tilespmem:s20+$0xFFFFFF90] =	vst v1;
	v1 =	vld.idx.msk [tilespmem:v2+s3+$0x0], $0xffff  }
0x2f: {  	v3 =	vld [tilespmem:s22+$0xFFFFFF80];
	_ =	sdelay $0x1  }
0x30: {  	v2 =	vld [tilespmem:s28+$0xFFFFFFA0]  }
0x31: {  	s21 =	simm.s32 $0x1C880  }
0x32: {  	[tilespmem:s21+$0x0] =	vst v1  }
0x33: {  	v1 =	vld [tilespmem:s22+$0x10]  }
0x34: {  	v0 =	vld.idx.msk [tilespmem:v0+s3+$0x0], $0xffff;
	_ =	sdelay $0x1  }
0x35: {  	v3 =	vld.idx.msk [tilespmem:v3+s3+$0x0], $0xffff;
	_ =	sdelay $0x1  }
0x36: {  	v2 =	vld.idx.msk [tilespmem:v2+s3+$0x0], $0xffff  }
0x37: {  	[tilespmem:s20+$0x20] =	vst v0  }
0x38: {  	v0 =	vld [tilespmem:s28+$0x30]  }
0x39: {  	[tilespmem:s21+$0xFFFFFF80] =	vst v3;
	v1 =	vld.idx.msk [tilespmem:v1+s3+$0x0], $0xffff  }
0x3a: {  	v3 =	vld [tilespmem:s22+$0xFFFFFF90]  }
0x3b: {  	[tilespmem:s20+$0xFFFFFFA0] =	vst v2  }
0x3c: {  	v2 =	vld [tilespmem:s28+$0xFFFFFFB0];
	_ =	sdelay $0x1  }
0x3d: {  	[tilespmem:s21+$0x10] =	vst v1  }
0x3e: {  	v1 =	vld [tilespmem:s22+$0x20]  }
0x3f: {  	s23 =	simm.s32 $0x18980;
	v0 =	vld.idx.msk [tilespmem:v0+s3+$0x0], $0xffff  }
0x40: {  	v4 =	vld [tilespmem:s23+$0x0]  }
0x41: {  	v3 =	vld.idx.msk [tilespmem:v3+s3+$0x0], $0xffff  }
0x42: {  	v5 =	vld [tilespmem:s23+$0xFFFFFF80]  }
0x43: {  	v2 =	vld.idx.msk [tilespmem:v2+s3+$0x0], $0xffff  }
0x44: {  	[tilespmem:s20+$0x30] =	vst v0  }
0x45: {  	v0 =	vld [tilespmem:s28+$0x40]  }
0x46: {  	[tilespmem:s21+$0xFFFFFF90] =	vst v3;
	v1 =	vld.idx.msk [tilespmem:v1+s3+$0x0], $0xffff  }
0x47: {  	v3 =	vld [tilespmem:s22+$0xFFFFFFA0]  }
0x48: {  	v4 =	vld.idx.msk [tilespmem:v4+s3+$0x0], $0xffff;
	[tilespmem:s20+$0xFFFFFFB0] =	vst v2  }
0x49: {  	v2 =	vld [tilespmem:s28+$0xFFFFFFC0]  }
0x4a: {  	s25 =	simm.s32 $0x18A80;
	v5 =	vld.idx.msk [tilespmem:v5+s3+$0x0], $0xffff  }
0x4b: {  	v6 =	vld [tilespmem:s25+$0x0];
	[tilespmem:s21+$0x20] =	vst v1  }
0x4c: {  	s24 =	simm.s32 $0x1C980;
	v1 =	vld [tilespmem:s22+$0x30]  }
0x4d: {  	[tilespmem:s24+$0x0] =	vst v4;
	v0 =	vld.idx.msk [tilespmem:v0+s3+$0x0], $0xffff  }
0x4e: {  	v4 =	vld [tilespmem:s23+$0x10]  }
0x4f: {  	[tilespmem:s24+$0xFFFFFF80] =	vst v5;
	v3 =	vld.idx.msk [tilespmem:v3+s3+$0x0], $0xffff  }
0x50: {  	v5 =	vld [tilespmem:s23+$0xFFFFFF90]  }
0x51: {  	v2 =	vld.idx.msk [tilespmem:v2+s3+$0x0], $0xffff  }
0x52: {  	v7 =	vld [tilespmem:s25+$0xFFFFFF80];
	[tilespmem:s20+$0x40] =	vst v0  }
0x53: {  	v0 =	vld [tilespmem:s28+$0x50]  }
0x54: {  	[tilespmem:s21+$0xFFFFFFA0] =	vst v3;
	v1 =	vld.idx.msk [tilespmem:v1+s3+$0x0], $0xffff  }
0x55: {  	v3 =	vld [tilespmem:s22+$0xFFFFFFB0]  }
0x56: {  	v4 =	vld.idx.msk [tilespmem:v4+s3+$0x0], $0xffff;
	[tilespmem:s20+$0xFFFFFFC0] =	vst v2  }
0x57: {  	v2 =	vld [tilespmem:s28+$0xFFFFFFD0]  }
0x58: {  	v5 =	vld.idx.msk [tilespmem:v5+s3+$0x0], $0xffff  }
0x59: {  	v6 =	vld.idx.msk [tilespmem:v6+s3+$0x0], $0xffff;
	[tilespmem:s21+$0x30] =	vst v1  }
0x5a: {  	v1 =	vld [tilespmem:s22+$0x40]  }
0x5b: {  	[tilespmem:s24+$0x10] =	vst v4;
	v0 =	vld.idx.msk [tilespmem:v0+s3+$0x0], $0xffff  }
0x5c: {  	v4 =	vld [tilespmem:s23+$0x20]  }
0x5d: {  	[tilespmem:s24+$0xFFFFFF90] =	vst v5;
	v3 =	vld.idx.msk [tilespmem:v3+s3+$0x0], $0xffff  }
0x5e: {  	v5 =	vld [tilespmem:s23+$0xFFFFFFA0]  }
0x5f: {  	v2 =	vld.idx.msk [tilespmem:v2+s3+$0x0], $0xffff  }
0x60: {  	v7 =	vld.idx.msk [tilespmem:v7+s3+$0x0], $0xffff;
	[tilespmem:s20+$0x50] =	vst v0  }
0x61: {  	v0 =	vld [tilespmem:s28+$0x60]  }
0x62: {  	s26 =	simm.s32 $0x1CA80;
	[tilespmem:s21+$0xFFFFFFB0] =	vst v3;
	v1 =	vld.idx.msk [tilespmem:v1+s3+$0x0], $0xffff  }
0x63: {  	[tilespmem:s26+$0x0] =	vst v6;
	v3 =	vld [tilespmem:s22+$0xFFFFFFC0]  }
0x64: {  	[tilespmem:s20+$0xFFFFFFD0] =	vst v2;
	v2 =	vld.idx.msk [tilespmem:v4+s3+$0x0], $0xffff  }
0x65: {  	v6 =	vld [tilespmem:s25+$0x10]  }
0x66: {  	v4 =	vld [tilespmem:s28+$0xFFFFFFE0]  }
0x67: {  	v5 =	vld.idx.msk [tilespmem:v5+s3+$0x0], $0xffff;
	[tilespmem:s21+$0x40] =	vst v1  }
0x68: {  	v1 =	vld [tilespmem:s22+$0x50]  }
0x69: {  	[tilespmem:s24+$0x20] =	vst v2;
	v0 =	vld.idx.msk [tilespmem:v0+s3+$0x0], $0xffff  }
0x6a: {  	v2 =	vld [tilespmem:s23+$0x30]  }
0x6b: {  	[tilespmem:s26+$0xFFFFFF80] =	vst v7;
	v3 =	vld.idx.msk [tilespmem:v3+s3+$0x0], $0xffff  }
0x6c: {  	v8 =	vld [tilespmem:s25+$0xFFFFFF90];
	[tilespmem:s24+$0xFFFFFFA0] =	vst v5  }
0x6d: {  	v9 =	vld [tilespmem:s23+$0xFFFFFFB0]  }
0x6e: {  	v4 =	vld.idx.msk [tilespmem:v4+s3+$0x0], $0xffff;
	[tilespmem:s20+$0x60] =	vst v0  }
0x6f: {  	v0 =	vld [tilespmem:s28+$0x70]  }
0x70: {  	[tilespmem:s21+$0xFFFFFFC0] =	vst v3;
	v1 =	vld.idx.msk [tilespmem:v1+s3+$0x0], $0xffff  }
0x71: {  	v10 =	vld [tilespmem:s22+$0xFFFFFFD0]  }
0x72: {  	v2 =	vld.idx.msk [tilespmem:v2+s3+$0x0], $0xffff  }
0x73: {  	[tilespmem:s20+$0xFFFFFFE0] =	vst v4;
	v4 =	vld.idx.msk [tilespmem:v6+s3+$0x0], $0xffff;
	_ =	sdelay $0x1  }
0x74: {  	v5 =	vld.idx.msk [tilespmem:v8+s3+$0x0], $0xffff;
	[tilespmem:s21+$0x50] =	vst v1  }
0x75: {  	v1 =	vld [tilespmem:s22+$0x60]  }
0x76: {  	[tilespmem:s24+$0x30] =	vst v2;
	v7 =	vld.idx.msk [tilespmem:v0+s3+$0x0], $0xffff  }
0x77: {  	[tilespmem:s26+$0x10] =	vst v4;
	v4 =	vld.idx.msk [tilespmem:v9+s3+$0x0], $0xffff  }
0x78: {  	v3 =	vld [tilespmem:s23+$0x40]  }
0x79: {  	v2 =	vld.idx.msk [tilespmem:v10+s3+$0x0], $0xffff  }
0x7a: {  	v6 =	vld [tilespmem:s25+$0x20]  }
0x7b: {  	s29 =	simm.s32 $0x18B80;
	v0 =	vld [tilespmem:s28+$0xFFFFFFF0];
	s28 =	simm.s32 $0x6;
	[tilespmem:s20+$0x70] =	vst v7  }
.LBB2_2:
0x7c: {  	v7 =	vld [tilespmem:s29+$0x0];
	s28 =	sadd.s32 $0x2, s28;
	s30 =	smov.u32 s24;
	s24 =	smov.u32 s26  }
0x7d: {  	v8 =	vld [tilespmem:s29+$0xFFFFFF80];
	p1 =	slt.u32 s28, $0x1E;
	[tilespmem:s26+$0xFFFFFF90] =	vst v5  }
0x7e: {  	v1 =	vld.idx.msk [tilespmem:v1+s3+$0x0], $0xffff  }
0x7f: {  	v5 =	vld [tilespmem:s25+$0xFFFFFFA0];
	[tilespmem:s30+$0xFFFFFFB0] =	vst v4  }
0x80: {  	v3 =	vld.idx.msk [tilespmem:v3+s3+$0x0], $0xffff  }
0x81: {  	v4 =	vld [tilespmem:s23+$0xFFFFFFC0];
	[tilespmem:s21+$0xFFFFFFD0] =	vst v2  }
0x82: {  	v2 =	vld.idx.msk [tilespmem:v6+s3+$0x0], $0xffff  }
0x83: {  	v6 =	vld [tilespmem:s22+$0xFFFFFFE0]  }
0x84: {  	v7 =	vld.idx.msk [tilespmem:v7+s3+$0x0], $0xffff;
	[tilespmem:s21+$0x60] =	vst v1  }
0x85: {  	v1 =	vld [tilespmem:s22+$0x70]  }
0x86: {  	v8 =	vld.idx.msk [tilespmem:v8+s3+$0x0], $0xffff;
	[tilespmem:s30+$0x40] =	vst v3  }
0x87: {  	v3 =	vld [tilespmem:s23+$0x50]  }
0x88: {  	v5 =	vld.idx.msk [tilespmem:v5+s3+$0x0], $0xffff;
	[tilespmem:s26+$0x20] =	vst v2  }
0x89: {  	s26 =	sadd.s32 $0x100, s26;
	v2 =	vld [tilespmem:s25+$0x30]  }
0x8a: {  	[tilespmem:s26+$0x0] =	vst v7;
	v4 =	vld.idx.msk [tilespmem:v4+s3+$0x0], $0xffff  }
0x8b: {  	v7 =	vld [tilespmem:s29+$0x10]  }
0x8c: {  	[tilespmem:s26+$0xFFFFFF80] =	vst v8;
	v6 =	vld.idx.msk [tilespmem:v6+s3+$0x0], $0xffff  }
0x8d: {  	v1 =	vld.idx.msk [tilespmem:v1+s3+$0x0], $0xffff  }
0x8e: {  	v8 =	vld [tilespmem:s29+$0xFFFFFF90];
	[tilespmem:s24+$0xFFFFFFA0] =	vst v5  }
0x8f: {  	v3 =	vld.idx.msk [tilespmem:v3+s3+$0x0], $0xffff  }
0x90: {  	v9 =	vld [tilespmem:s25+$0xFFFFFFB0];
	[tilespmem:s30+$0xFFFFFFC0] =	vst v4  }
0x91: {  	v2 =	vld.idx.msk [tilespmem:v2+s3+$0x0], $0xffff  }
0x92: {  	v10 =	vld [tilespmem:s23+$0xFFFFFFD0];
	[tilespmem:s21+$0xFFFFFFE0] =	vst v6  }
0x93: {  	v4 =	vld.idx.msk [tilespmem:v7+s3+$0x0], $0xffff;
	[tilespmem:s21+$0x70] =	vst v1  }
0x94: {  	v6 =	vld [tilespmem:s22+$0xFFFFFFF0];
	s22 =	smov.u32 s23;
	s23 =	smov.u32 s25;
	s25 =	smov.u32 s29  }
0x95: {  	[tilespmem:s30+$0x50] =	vst v3;
	v7 =	vld.idx.msk [tilespmem:v0+s3+$0x0], $0xffff  }
0x96: {  	v1 =	vld [tilespmem:s22+$0x60]  }
.Ltmp0:
0x97: {  	v5 =	vld.idx.msk [tilespmem:v8+s3+$0x0], $0xffff;
	[tilespmem:s24+$0x30] =	vst v2;
	(pc) =	sbr.rel @p1 .LBB2_2-.Ltmp0, $4  }
0x98: {  	v3 =	vld [tilespmem:s23+$0x40]  }
0x99: {  	[tilespmem:s26+$0x10] =	vst v4;
	v4 =	vld.idx.msk [tilespmem:v9+s3+$0x0], $0xffff;
	v0 =	vmov v6  }
0x9a: {  	v6 =	vld [tilespmem:s29+$0x20]  }
0x9b: {  	s29 =	sadd.s32 $0x100, s29;
	v2 =	vld.idx.msk [tilespmem:v10+s3+$0x0], $0xffff;
	[tilespmem:s20+$0xFFFFFFF0] =	vst v7;
	s20 =	smov.u32 s21;
	s21 =	smov.u32 s30  }
0x9c: {  	[tilespmem:s26+$0xFFFFFF90] =	vst v5  }
0x9d: {  	v5 =	vld [tilespmem:s25+$0xFFFFFFA0];
	_ =	sdelay $0x6  }
0x9e: {  	v6 =	vld.idx.msk [tilespmem:v6+s3+$0x0], $0xffff  }
0x9f: {  	v5 =	vld.idx.msk [tilespmem:v5+s3+$0x0], $0xffff;
	_ =	sdelay $0x3  }
0xa0: {  	[tilespmem:s26+$0x20] =	vst v6  }
0xa1: {  	v6 =	vld [tilespmem:s25+$0x30];
	[tilespmem:s26+$0xFFFFFFA0] =	vst v5  }
0xa2: {  	v5 =	vld [tilespmem:s25+$0xFFFFFFB0];
	_ =	sdelay $0x6  }
0xa3: {  	v6 =	vld.idx.msk [tilespmem:v6+s3+$0x0], $0xffff  }
0xa4: {  	v5 =	vld.idx.msk [tilespmem:v5+s3+$0x0], $0xffff;
	_ =	sdelay $0x2  }
0xa5: {  	[tilespmem:s24+$0xFFFFFFB0] =	vst v4  }
0xa6: {  	[tilespmem:s26+$0x30] =	vst v6;
	v6 =	vld [tilespmem:s23+$0xFFFFFFC0]  }
0xa7: {  	v4 =	vld [tilespmem:s25+$0x40];
	[tilespmem:s26+$0xFFFFFFB0] =	vst v5  }
0xa8: {  	v5 =	vld [tilespmem:s25+$0xFFFFFFC0];
	_ =	sdelay $0x4  }
0xa9: {  	v3 =	vld.idx.msk [tilespmem:v3+s3+$0x0], $0xffff  }
0xaa: {  	v6 =	vld.idx.msk [tilespmem:v6+s3+$0x0], $0xffff  }
0xab: {  	v4 =	vld.idx.msk [tilespmem:v4+s3+$0x0], $0xffff  }
0xac: {  	v5 =	vld.idx.msk [tilespmem:v5+s3+$0x0], $0xffff;
	_ =	sdelay $0x1  }
0xad: {  	[tilespmem:s24+$0x40] =	vst v3  }
0xae: {  	v3 =	vld [tilespmem:s23+$0x50];
	[tilespmem:s24+$0xFFFFFFC0] =	vst v6  }
0xaf: {  	[tilespmem:s26+$0x40] =	vst v4;
	v6 =	vld [tilespmem:s23+$0xFFFFFFD0]  }
0xb0: {  	v4 =	vld [tilespmem:s25+$0x50];
	[tilespmem:s26+$0xFFFFFFC0] =	vst v5  }
0xb1: {  	v5 =	vld [tilespmem:s25+$0xFFFFFFD0];
	_ =	sdelay $0x4  }
0xb2: {  	v3 =	vld.idx.msk [tilespmem:v3+s3+$0x0], $0xffff  }
0xb3: {  	v6 =	vld.idx.msk [tilespmem:v6+s3+$0x0], $0xffff  }
0xb4: {  	v4 =	vld.idx.msk [tilespmem:v4+s3+$0x0], $0xffff  }
0xb5: {  	v5 =	vld.idx.msk [tilespmem:v5+s3+$0x0], $0xffff  }
0xb6: {  	v1 =	vld.idx.msk [tilespmem:v1+s3+$0x0], $0xffff;
	[tilespmem:s21+$0xFFFFFFD0] =	vst v2  }
0xb7: {  	[tilespmem:s24+$0x50] =	vst v3;
	v3 =	vld [tilespmem:s22+$0xFFFFFFE0]  }
0xb8: {  	v2 =	vld [tilespmem:s23+$0x60];
	[tilespmem:s24+$0xFFFFFFD0] =	vst v6  }
0xb9: {  	[tilespmem:s26+$0x50] =	vst v4;
	v6 =	vld [tilespmem:s23+$0xFFFFFFE0]  }
0xba: {  	v4 =	vld [tilespmem:s25+$0x60];
	[tilespmem:s26+$0xFFFFFFD0] =	vst v5  }
0xbb: {  	v5 =	vld [tilespmem:s25+$0xFFFFFFE0];
	_ =	sdelay $0x1  }
0xbc: {  	[tilespmem:s21+$0x60] =	vst v1  }
0xbd: {  	v1 =	vld [tilespmem:s22+$0x70]  }
0xbe: {  	v3 =	vld.idx.msk [tilespmem:v3+s3+$0x0], $0xffff  }
0xbf: {  	v2 =	vld.idx.msk [tilespmem:v2+s3+$0x0], $0xffff  }
0xc0: {  	v6 =	vld.idx.msk [tilespmem:v6+s3+$0x0], $0xffff  }
0xc1: {  	v4 =	vld.idx.msk [tilespmem:v4+s3+$0x0], $0xffff  }
0xc2: {  	v5 =	vld.idx.msk [tilespmem:v5+s3+$0x0], $0xffff  }
0xc3: {  	[tilespmem:s21+$0xFFFFFFE0] =	vst v3  }
0xc4: {  	[tilespmem:s24+$0x60] =	vst v2;
	v3 =	vld [tilespmem:s22+$0xFFFFFFF0]  }
0xc5: {  	v2 =	vld [tilespmem:s23+$0x70];
	[tilespmem:s24+$0xFFFFFFE0] =	vst v6  }
0xc6: {  	[tilespmem:s26+$0x60] =	vst v4;
	v6 =	vld [tilespmem:s23+$0xFFFFFFF0]  }
0xc7: {  	v4 =	vld [tilespmem:s25+$0x70];
	[tilespmem:s26+$0xFFFFFFE0] =	vst v5  }
0xc8: {  	v5 =	vld [tilespmem:s25+$0xFFFFFFF0]  }
0xc9: {  	v1 =	vld.idx.msk [tilespmem:v1+s3+$0x0], $0xffff;
	_ =	sdelay $0x1  }
0xca: {  	v0 =	vld.idx.msk [tilespmem:v0+s3+$0x0], $0xffff  }
0xcb: {  	v3 =	vld.idx.msk [tilespmem:v3+s3+$0x0], $0xffff  }
0xcc: {  	v2 =	vld.idx.msk [tilespmem:v2+s3+$0x0], $0xffff  }
0xcd: {  	[tilespmem:s21+$0x70] =	vst v1;
	v1 =	vld.idx.msk [tilespmem:v6+s3+$0x0], $0xffff  }
0xce: {  	v4 =	vld.idx.msk [tilespmem:v4+s3+$0x0], $0xffff  }
0xcf: {  	[tilespmem:s20+$0xFFFFFFF0] =	vst v0;
	v0 =	vld.idx.msk [tilespmem:v5+s3+$0x0], $0xffff  }
0xd0: {  	[tilespmem:s21+$0xFFFFFFF0] =	vst v3  }
0xd1: {  	[tilespmem:s24+$0x70] =	vst v2  }
0xd2: {  	[tilespmem:s24+$0xFFFFFFF0] =	vst v1  }
0xd3: {  	[tilespmem:s26+$0x70] =	vst v4  }
0xd4: {  	s28 =	simm.s32 $0x197F0;
	[tilespmem:s26+$0xFFFFFFF0] =	vst v0  }
0xd5: {  	[hbm4b:s5+s3] =	stream.linear.scatter [tilespmem:s16], [sflag:$0x3], $0x1000, $0x38;
	[tilespmem:$0x1EB00] =	vst v63  }
0xd6: {  	v0 =	vld [tilespmem:s28+$0xFFFFFF90];
	_ =	sdelay $0x1  }
0xd7: {  	v1 =	vld [tilespmem:s28+$0xFFFFFF10];
	_ =	sdelay $0x5  }
0xd8: {  	v0 =	vld.idx.msk [tilespmem:v0+s3+$0x0], $0xffff;
	_ =	sdelay $0x1  }
0xd9: {  	v1 =	vld.idx.msk [tilespmem:v1+s3+$0x0], $0xffff;
	_ =	sdelay $0x1  }
0xda: {  	s20 =	simm.s32 $0x1D7F0  }
0xdb: {  	[tilespmem:s20+$0xFFFFFF90] =	vst v0  }
0xdc: {  	v0 =	vld [tilespmem:s28+$0xFFFFFFA0]  }
0xdd: {  	[tilespmem:s20+$0xFFFFFF10] =	vst v1  }
0xde: {  	v1 =	vld [tilespmem:s28+$0xFFFFFF20];
	_ =	sdelay $0x3  }
0xdf: {  	s22 =	simm.s32 $0x198F0  }
0xe0: {  	v2 =	vld [tilespmem:s22+$0xFFFFFF90]  }
0xe1: {  	v0 =	vld.idx.msk [tilespmem:v0+s3+$0x0], $0xffff;
	_ =	sdelay $0x1  }
0xe2: {  	v1 =	vld.idx.msk [tilespmem:v1+s3+$0x0], $0xffff;
	_ =	sdelay $0x2  }
0xe3: {  	[tilespmem:s20+$0xFFFFFFA0] =	vst v0  }
0xe4: {  	v0 =	vld [tilespmem:s28+$0xFFFFFFB0]  }
0xe5: {  	[tilespmem:s20+$0xFFFFFF20] =	vst v1;
	v1 =	vld.idx.msk [tilespmem:v2+s3+$0x0], $0xffff  }
0xe6: {  	v3 =	vld [tilespmem:s22+$0xFFFFFF10];
	_ =	sdelay $0x1  }
0xe7: {  	v2 =	vld [tilespmem:s28+$0xFFFFFF30]  }
0xe8: {  	s21 =	simm.s32 $0x1D8F0  }
0xe9: {  	[tilespmem:s21+$0xFFFFFF90] =	vst v1  }
0xea: {  	v1 =	vld [tilespmem:s22+$0xFFFFFFA0]  }
0xeb: {  	v0 =	vld.idx.msk [tilespmem:v0+s3+$0x0], $0xffff;
	_ =	sdelay $0x1  }
0xec: {  	v3 =	vld.idx.msk [tilespmem:v3+s3+$0x0], $0xffff;
	_ =	sdelay $0x1  }
0xed: {  	v2 =	vld.idx.msk [tilespmem:v2+s3+$0x0], $0xffff  }
0xee: {  	[tilespmem:s20+$0xFFFFFFB0] =	vst v0  }
0xef: {  	v0 =	vld [tilespmem:s28+$0xFFFFFFC0]  }
0xf0: {  	[tilespmem:s21+$0xFFFFFF10] =	vst v3;
	v1 =	vld.idx.msk [tilespmem:v1+s3+$0x0], $0xffff  }
0xf1: {  	v3 =	vld [tilespmem:s22+$0xFFFFFF20]  }
0xf2: {  	[tilespmem:s20+$0xFFFFFF30] =	vst v2  }
0xf3: {  	v2 =	vld [tilespmem:s28+$0xFFFFFF40];
	_ =	sdelay $0x1  }
0xf4: {  	[tilespmem:s21+$0xFFFFFFA0] =	vst v1  }
0xf5: {  	v1 =	vld [tilespmem:s22+$0xFFFFFFB0]  }
0xf6: {  	s23 =	simm.s32 $0x199F0;
	v0 =	vld.idx.msk [tilespmem:v0+s3+$0x0], $0xffff  }
0xf7: {  	v4 =	vld [tilespmem:s23+$0xFFFFFF90]  }
0xf8: {  	v3 =	vld.idx.msk [tilespmem:v3+s3+$0x0], $0xffff  }
0xf9: {  	v5 =	vld [tilespmem:s23+$0xFFFFFF10]  }
0xfa: {  	v2 =	vld.idx.msk [tilespmem:v2+s3+$0x0], $0xffff  }
0xfb: {  	[tilespmem:s20+$0xFFFFFFC0] =	vst v0  }
0xfc: {  	v0 =	vld [tilespmem:s28+$0xFFFFFFD0]  }
0xfd: {  	[tilespmem:s21+$0xFFFFFF20] =	vst v3;
	v1 =	vld.idx.msk [tilespmem:v1+s3+$0x0], $0xffff  }
0xfe: {  	v3 =	vld [tilespmem:s22+$0xFFFFFF30]  }
0xff: {  	v4 =	vld.idx.msk [tilespmem:v4+s3+$0x0], $0xffff;
	[tilespmem:s20+$0xFFFFFF40] =	vst v2  }
0x100: {  	v2 =	vld [tilespmem:s28+$0xFFFFFF50]  }
0x101: {  	s25 =	simm.s32 $0x19AF0;
	v5 =	vld.idx.msk [tilespmem:v5+s3+$0x0], $0xffff  }
0x102: {  	v6 =	vld [tilespmem:s25+$0xFFFFFF90];
	[tilespmem:s21+$0xFFFFFFB0] =	vst v1  }
0x103: {  	s24 =	simm.s32 $0x1D9F0;
	v1 =	vld [tilespmem:s22+$0xFFFFFFC0]  }
0x104: {  	[tilespmem:s24+$0xFFFFFF90] =	vst v4;
	v0 =	vld.idx.msk [tilespmem:v0+s3+$0x0], $0xffff  }
0x105: {  	v4 =	vld [tilespmem:s23+$0xFFFFFFA0]  }
0x106: {  	[tilespmem:s24+$0xFFFFFF10] =	vst v5;
	v3 =	vld.idx.msk [tilespmem:v3+s3+$0x0], $0xffff  }
0x107: {  	v5 =	vld [tilespmem:s23+$0xFFFFFF20]  }
0x108: {  	v2 =	vld.idx.msk [tilespmem:v2+s3+$0x0], $0xffff  }
0x109: {  	v7 =	vld [tilespmem:s25+$0xFFFFFF10];
	[tilespmem:s20+$0xFFFFFFD0] =	vst v0  }
0x10a: {  	v0 =	vld [tilespmem:s28+$0xFFFFFFE0]  }
0x10b: {  	[tilespmem:s21+$0xFFFFFF30] =	vst v3;
	v1 =	vld.idx.msk [tilespmem:v1+s3+$0x0], $0xffff  }
0x10c: {  	v3 =	vld [tilespmem:s22+$0xFFFFFF40]  }
0x10d: {  	v4 =	vld.idx.msk [tilespmem:v4+s3+$0x0], $0xffff;
	[tilespmem:s20+$0xFFFFFF50] =	vst v2  }
0x10e: {  	v2 =	vld [tilespmem:s28+$0xFFFFFF60]  }
0x10f: {  	v5 =	vld.idx.msk [tilespmem:v5+s3+$0x0], $0xffff  }
0x110: {  	v6 =	vld.idx.msk [tilespmem:v6+s3+$0x0], $0xffff;
	[tilespmem:s21+$0xFFFFFFC0] =	vst v1  }
0x111: {  	v1 =	vld [tilespmem:s22+$0xFFFFFFD0]  }
0x112: {  	[tilespmem:s24+$0xFFFFFFA0] =	vst v4;
	v0 =	vld.idx.msk [tilespmem:v0+s3+$0x0], $0xffff  }
0x113: {  	v4 =	vld [tilespmem:s23+$0xFFFFFFB0]  }
0x114: {  	[tilespmem:s24+$0xFFFFFF20] =	vst v5;
	v3 =	vld.idx.msk [tilespmem:v3+s3+$0x0], $0xffff  }
0x115: {  	v5 =	vld [tilespmem:s23+$0xFFFFFF30]  }
0x116: {  	v2 =	vld.idx.msk [tilespmem:v2+s3+$0x0], $0xffff  }
0x117: {  	v7 =	vld.idx.msk [tilespmem:v7+s3+$0x0], $0xffff;
	[tilespmem:s20+$0xFFFFFFE0] =	vst v0  }
0x118: {  	v0 =	vld [tilespmem:s28+$0xFFFFFFF0]  }
0x119: {  	s26 =	simm.s32 $0x1DAF0;
	[tilespmem:s21+$0xFFFFFF40] =	vst v3;
	v1 =	vld.idx.msk [tilespmem:v1+s3+$0x0], $0xffff  }
0x11a: {  	[tilespmem:s26+$0xFFFFFF90] =	vst v6;
	v3 =	vld [tilespmem:s22+$0xFFFFFF50]  }
0x11b: {  	[tilespmem:s20+$0xFFFFFF60] =	vst v2;
	v2 =	vld.idx.msk [tilespmem:v4+s3+$0x0], $0xffff  }
0x11c: {  	v6 =	vld [tilespmem:s25+$0xFFFFFFA0]  }
0x11d: {  	v4 =	vld [tilespmem:s28+$0xFFFFFF70]  }
0x11e: {  	v5 =	vld.idx.msk [tilespmem:v5+s3+$0x0], $0xffff;
	[tilespmem:s21+$0xFFFFFFD0] =	vst v1  }
0x11f: {  	v1 =	vld [tilespmem:s22+$0xFFFFFFE0]  }
0x120: {  	[tilespmem:s24+$0xFFFFFFB0] =	vst v2;
	v0 =	vld.idx.msk [tilespmem:v0+s3+$0x0], $0xffff  }
0x121: {  	v2 =	vld [tilespmem:s23+$0xFFFFFFC0]  }
0x122: {  	[tilespmem:s26+$0xFFFFFF10] =	vst v7;
	v3 =	vld.idx.msk [tilespmem:v3+s3+$0x0], $0xffff  }
0x123: {  	v8 =	vld [tilespmem:s25+$0xFFFFFF20];
	[tilespmem:s24+$0xFFFFFF30] =	vst v5  }
0x124: {  	v9 =	vld [tilespmem:s23+$0xFFFFFF40]  }
0x125: {  	v4 =	vld.idx.msk [tilespmem:v4+s3+$0x0], $0xffff;
	[tilespmem:s20+$0xFFFFFFF0] =	vst v0  }
0x126: {  	v0 =	vld [tilespmem:s28+$0x0]  }
0x127: {  	[tilespmem:s21+$0xFFFFFF50] =	vst v3;
	v1 =	vld.idx.msk [tilespmem:v1+s3+$0x0], $0xffff  }
0x128: {  	v10 =	vld [tilespmem:s22+$0xFFFFFF60]  }
0x129: {  	v2 =	vld.idx.msk [tilespmem:v2+s3+$0x0], $0xffff  }
0x12a: {  	[tilespmem:s20+$0xFFFFFF70] =	vst v4;
	v4 =	vld.idx.msk [tilespmem:v6+s3+$0x0], $0xffff;
	_ =	sdelay $0x1  }
0x12b: {  	v5 =	vld.idx.msk [tilespmem:v8+s3+$0x0], $0xffff;
	[tilespmem:s21+$0xFFFFFFE0] =	vst v1  }
0x12c: {  	v1 =	vld [tilespmem:s22+$0xFFFFFFF0]  }
0x12d: {  	[tilespmem:s24+$0xFFFFFFC0] =	vst v2;
	v7 =	vld.idx.msk [tilespmem:v0+s3+$0x0], $0xffff  }
0x12e: {  	[tilespmem:s26+$0xFFFFFFA0] =	vst v4;
	v4 =	vld.idx.msk [tilespmem:v9+s3+$0x0], $0xffff  }
0x12f: {  	v3 =	vld [tilespmem:s23+$0xFFFFFFD0]  }
0x130: {  	v2 =	vld.idx.msk [tilespmem:v10+s3+$0x0], $0xffff  }
0x131: {  	v6 =	vld [tilespmem:s25+$0xFFFFFFB0]  }
0x132: {  	s29 =	simm.s32 $0x19BF0;
	v0 =	vld [tilespmem:s28+$0xFFFFFF80];
	s28 =	simm.s32 $0x6;
	[tilespmem:s20+$0x0] =	vst v7  }
.LBB2_4:
0x133: {  	v7 =	vld [tilespmem:s29+$0xFFFFFF90];
	s28 =	sadd.s32 $0x2, s28;
	s30 =	smov.u32 s24;
	s24 =	smov.u32 s26  }
0x134: {  	v8 =	vld [tilespmem:s29+$0xFFFFFF10];
	p1 =	slt.u32 s28, $0x1E;
	[tilespmem:s26+$0xFFFFFF20] =	vst v5  }
0x135: {  	v1 =	vld.idx.msk [tilespmem:v1+s3+$0x0], $0xffff  }
0x136: {  	v5 =	vld [tilespmem:s25+$0xFFFFFF30];
	[tilespmem:s30+$0xFFFFFF40] =	vst v4  }
0x137: {  	v3 =	vld.idx.msk [tilespmem:v3+s3+$0x0], $0xffff  }
0x138: {  	v4 =	vld [tilespmem:s23+$0xFFFFFF50];
	[tilespmem:s21+$0xFFFFFF60] =	vst v2  }
0x139: {  	v2 =	vld.idx.msk [tilespmem:v6+s3+$0x0], $0xffff  }
0x13a: {  	v6 =	vld [tilespmem:s22+$0xFFFFFF70]  }
0x13b: {  	v7 =	vld.idx.msk [tilespmem:v7+s3+$0x0], $0xffff;
	[tilespmem:s21+$0xFFFFFFF0] =	vst v1  }
0x13c: {  	v1 =	vld [tilespmem:s22+$0x0]  }
0x13d: {  	v8 =	vld.idx.msk [tilespmem:v8+s3+$0x0], $0xffff;
	[tilespmem:s30+$0xFFFFFFD0] =	vst v3  }
0x13e: {  	v3 =	vld [tilespmem:s23+$0xFFFFFFE0]  }
0x13f: {  	v5 =	vld.idx.msk [tilespmem:v5+s3+$0x0], $0xffff;
	[tilespmem:s26+$0xFFFFFFB0] =	vst v2  }
0x140: {  	s26 =	sadd.s32 $0x100, s26;
	v2 =	vld [tilespmem:s25+$0xFFFFFFC0]  }
0x141: {  	[tilespmem:s26+$0xFFFFFF90] =	vst v7;
	v4 =	vld.idx.msk [tilespmem:v4+s3+$0x0], $0xffff  }
0x142: {  	v7 =	vld [tilespmem:s29+$0xFFFFFFA0]  }
0x143: {  	[tilespmem:s26+$0xFFFFFF10] =	vst v8;
	v6 =	vld.idx.msk [tilespmem:v6+s3+$0x0], $0xffff  }
0x144: {  	v1 =	vld.idx.msk [tilespmem:v1+s3+$0x0], $0xffff  }
0x145: {  	v8 =	vld [tilespmem:s29+$0xFFFFFF20];
	[tilespmem:s24+$0xFFFFFF30] =	vst v5  }
0x146: {  	v3 =	vld.idx.msk [tilespmem:v3+s3+$0x0], $0xffff  }
0x147: {  	v9 =	vld [tilespmem:s25+$0xFFFFFF40];
	[tilespmem:s30+$0xFFFFFF50] =	vst v4  }
0x148: {  	v2 =	vld.idx.msk [tilespmem:v2+s3+$0x0], $0xffff  }
0x149: {  	v10 =	vld [tilespmem:s23+$0xFFFFFF60];
	[tilespmem:s21+$0xFFFFFF70] =	vst v6  }
0x14a: {  	v4 =	vld.idx.msk [tilespmem:v7+s3+$0x0], $0xffff;
	[tilespmem:s21+$0x0] =	vst v1  }
0x14b: {  	v6 =	vld [tilespmem:s22+$0xFFFFFF80];
	s22 =	smov.u32 s23;
	s23 =	smov.u32 s25;
	s25 =	smov.u32 s29  }
0x14c: {  	[tilespmem:s30+$0xFFFFFFE0] =	vst v3;
	v7 =	vld.idx.msk [tilespmem:v0+s3+$0x0], $0xffff  }
0x14d: {  	v1 =	vld [tilespmem:s22+$0xFFFFFFF0]  }
.Ltmp1:
0x14e: {  	v5 =	vld.idx.msk [tilespmem:v8+s3+$0x0], $0xffff;
	[tilespmem:s24+$0xFFFFFFC0] =	vst v2;
	(pc) =	sbr.rel @p1 .LBB2_4-.Ltmp1, $4  }
0x14f: {  	v3 =	vld [tilespmem:s23+$0xFFFFFFD0]  }
0x150: {  	[tilespmem:s26+$0xFFFFFFA0] =	vst v4;
	v4 =	vld.idx.msk [tilespmem:v9+s3+$0x0], $0xffff;
	v0 =	vmov v6  }
0x151: {  	v6 =	vld [tilespmem:s29+$0xFFFFFFB0]  }
0x152: {  	s29 =	sadd.s32 $0x100, s29;
	v2 =	vld.idx.msk [tilespmem:v10+s3+$0x0], $0xffff;
	[tilespmem:s20+$0xFFFFFF80] =	vst v7;
	s20 =	smov.u32 s21;
	s21 =	smov.u32 s30  }
0x153: {  	[tilespmem:s26+$0xFFFFFF20] =	vst v5  }
0x154: {  	v5 =	vld [tilespmem:s25+$0xFFFFFF30];
	_ =	sdelay $0x6  }
0x155: {  	v6 =	vld.idx.msk [tilespmem:v6+s3+$0x0], $0xffff  }
0x156: {  	v5 =	vld.idx.msk [tilespmem:v5+s3+$0x0], $0xffff;
	_ =	sdelay $0x3  }
0x157: {  	[tilespmem:s26+$0xFFFFFFB0] =	vst v6  }
0x158: {  	v6 =	vld [tilespmem:s25+$0xFFFFFFC0];
	[tilespmem:s26+$0xFFFFFF30] =	vst v5  }
0x159: {  	v5 =	vld [tilespmem:s25+$0xFFFFFF40];
	_ =	sdelay $0x6  }
0x15a: {  	v6 =	vld.idx.msk [tilespmem:v6+s3+$0x0], $0xffff  }
0x15b: {  	v5 =	vld.idx.msk [tilespmem:v5+s3+$0x0], $0xffff;
	_ =	sdelay $0x2  }
0x15c: {  	[tilespmem:s24+$0xFFFFFF40] =	vst v4  }
0x15d: {  	[tilespmem:s26+$0xFFFFFFC0] =	vst v6;
	v6 =	vld [tilespmem:s23+$0xFFFFFF50]  }
0x15e: {  	v4 =	vld [tilespmem:s25+$0xFFFFFFD0];
	[tilespmem:s26+$0xFFFFFF40] =	vst v5  }
0x15f: {  	v5 =	vld [tilespmem:s25+$0xFFFFFF50];
	_ =	sdelay $0x4  }
0x160: {  	v3 =	vld.idx.msk [tilespmem:v3+s3+$0x0], $0xffff  }
0x161: {  	v6 =	vld.idx.msk [tilespmem:v6+s3+$0x0], $0xffff  }
0x162: {  	v4 =	vld.idx.msk [tilespmem:v4+s3+$0x0], $0xffff  }
0x163: {  	v5 =	vld.idx.msk [tilespmem:v5+s3+$0x0], $0xffff;
	_ =	sdelay $0x1  }
0x164: {  	[tilespmem:s24+$0xFFFFFFD0] =	vst v3  }
0x165: {  	v3 =	vld [tilespmem:s23+$0xFFFFFFE0];
	[tilespmem:s24+$0xFFFFFF50] =	vst v6  }
0x166: {  	[tilespmem:s26+$0xFFFFFFD0] =	vst v4;
	v6 =	vld [tilespmem:s23+$0xFFFFFF60]  }
0x167: {  	v4 =	vld [tilespmem:s25+$0xFFFFFFE0];
	[tilespmem:s26+$0xFFFFFF50] =	vst v5  }
0x168: {  	v5 =	vld [tilespmem:s25+$0xFFFFFF60];
	_ =	sdelay $0x4  }
0x169: {  	v3 =	vld.idx.msk [tilespmem:v3+s3+$0x0], $0xffff  }
0x16a: {  	v6 =	vld.idx.msk [tilespmem:v6+s3+$0x0], $0xffff  }
0x16b: {  	v4 =	vld.idx.msk [tilespmem:v4+s3+$0x0], $0xffff  }
0x16c: {  	v5 =	vld.idx.msk [tilespmem:v5+s3+$0x0], $0xffff  }
0x16d: {  	v1 =	vld.idx.msk [tilespmem:v1+s3+$0x0], $0xffff;
	[tilespmem:s21+$0xFFFFFF60] =	vst v2  }
0x16e: {  	[tilespmem:s24+$0xFFFFFFE0] =	vst v3;
	v3 =	vld [tilespmem:s22+$0xFFFFFF70]  }
0x16f: {  	v2 =	vld [tilespmem:s23+$0xFFFFFFF0];
	[tilespmem:s24+$0xFFFFFF60] =	vst v6  }
0x170: {  	[tilespmem:s26+$0xFFFFFFE0] =	vst v4;
	v6 =	vld [tilespmem:s23+$0xFFFFFF70]  }
0x171: {  	v4 =	vld [tilespmem:s25+$0xFFFFFFF0];
	[tilespmem:s26+$0xFFFFFF60] =	vst v5  }
0x172: {  	v5 =	vld [tilespmem:s25+$0xFFFFFF70];
	_ =	sdelay $0x1  }
0x173: {  	[tilespmem:s21+$0xFFFFFFF0] =	vst v1  }
0x174: {  	v1 =	vld [tilespmem:s22+$0x0]  }
0x175: {  	v3 =	vld.idx.msk [tilespmem:v3+s3+$0x0], $0xffff  }
0x176: {  	v2 =	vld.idx.msk [tilespmem:v2+s3+$0x0], $0xffff  }
0x177: {  	v6 =	vld.idx.msk [tilespmem:v6+s3+$0x0], $0xffff  }
0x178: {  	v4 =	vld.idx.msk [tilespmem:v4+s3+$0x0], $0xffff  }
0x179: {  	v5 =	vld.idx.msk [tilespmem:v5+s3+$0x0], $0xffff  }
0x17a: {  	[tilespmem:s21+$0xFFFFFF70] =	vst v3  }
0x17b: {  	[tilespmem:s24+$0xFFFFFFF0] =	vst v2;
	v3 =	vld [tilespmem:s22+$0xFFFFFF80]  }
0x17c: {  	v2 =	vld [tilespmem:s23+$0x0];
	[tilespmem:s24+$0xFFFFFF70] =	vst v6  }
0x17d: {  	[tilespmem:s26+$0xFFFFFFF0] =	vst v4;
	v6 =	vld [tilespmem:s23+$0xFFFFFF80]  }
0x17e: {  	v4 =	vld [tilespmem:s25+$0x0];
	[tilespmem:s26+$0xFFFFFF70] =	vst v5  }
0x17f: {  	v5 =	vld [tilespmem:s25+$0xFFFFFF80]  }
0x180: {  	v1 =	vld.idx.msk [tilespmem:v1+s3+$0x0], $0xffff;
	_ =	sdelay $0x1  }
0x181: {  	v0 =	vld.idx.msk [tilespmem:v0+s3+$0x0], $0xffff  }
0x182: {  	v3 =	vld.idx.msk [tilespmem:v3+s3+$0x0], $0xffff  }
0x183: {  	v2 =	vld.idx.msk [tilespmem:v2+s3+$0x0], $0xffff  }
0x184: {  	[tilespmem:s21+$0x0] =	vst v1;
	v1 =	vld.idx.msk [tilespmem:v6+s3+$0x0], $0xffff  }
0x185: {  	v4 =	vld.idx.msk [tilespmem:v4+s3+$0x0], $0xffff  }
0x186: {  	[tilespmem:s20+$0xFFFFFF80] =	vst v0;
	v0 =	vld.idx.msk [tilespmem:v5+s3+$0x0], $0xffff  }
0x187: {  	[tilespmem:s21+$0xFFFFFF80] =	vst v3  }
0x188: {  	[tilespmem:s24+$0x0] =	vst v2  }
0x189: {  	[tilespmem:s24+$0xFFFFFF80] =	vst v1  }
0x18a: {  	[tilespmem:s26+$0x0] =	vst v4  }
0x18b: {  	[tilespmem:s26+$0xFFFFFF80] =	vst v0  }
0x18c: {  	[hbm4b:s6+s3] =	stream.linear.scatter [tilespmem:s17], [sflag:$0x3], $0x1000, $0x38;
	[tilespmem:$0x1EB00] =	vst v63  }
0x18d: {  	_ =	swait.ge [sflag:s18], $0x1000  }
0x18e: {  	[sflag:s18] =	ssyncset.done $0x0  }
0x18f: {  	s28 =	simm.s32 $0x1A7F0;
	[sflag:s18] =	ssyncadd.s32 $0xFFFFF000  }
0x190: {  	v0 =	vld [tilespmem:s28+$0xFFFFFF90];
	_ =	sdelay $0x1  }
0x191: {  	v1 =	vld [tilespmem:s28+$0xFFFFFF10];
	_ =	sdelay $0x5  }
0x192: {  	v0 =	vld.idx.msk [tilespmem:v0+s3+$0x0], $0xffff;
	_ =	sdelay $0x1  }
0x193: {  	v1 =	vld.idx.msk [tilespmem:v1+s3+$0x0], $0xffff;
	_ =	sdelay $0x1  }
0x194: {  	s20 =	simm.s32 $0x1C780  }
0x195: {  	[tilespmem:s20+$0x0] =	vst v0  }
0x196: {  	v0 =	vld [tilespmem:s28+$0xFFFFFFA0]  }
0x197: {  	[tilespmem:s20+$0xFFFFFF80] =	vst v1  }
0x198: {  	v1 =	vld [tilespmem:s28+$0xFFFFFF20];
	_ =	sdelay $0x3  }
0x199: {  	s22 =	simm.s32 $0x1A8F0  }
0x19a: {  	v2 =	vld [tilespmem:s22+$0xFFFFFF90]  }
0x19b: {  	v0 =	vld.idx.msk [tilespmem:v0+s3+$0x0], $0xffff;
	_ =	sdelay $0x1  }
0x19c: {  	v1 =	vld.idx.msk [tilespmem:v1+s3+$0x0], $0xffff;
	_ =	sdelay $0x2  }
0x19d: {  	[tilespmem:s20+$0x10] =	vst v0  }
0x19e: {  	v0 =	vld [tilespmem:s28+$0xFFFFFFB0]  }
0x19f: {  	[tilespmem:s20+$0xFFFFFF90] =	vst v1;
	v1 =	vld.idx.msk [tilespmem:v2+s3+$0x0], $0xffff  }
0x1a0: {  	v3 =	vld [tilespmem:s22+$0xFFFFFF10];
	_ =	sdelay $0x1  }
0x1a1: {  	v2 =	vld [tilespmem:s28+$0xFFFFFF30]  }
0x1a2: {  	s21 =	simm.s32 $0x1C880  }
0x1a3: {  	[tilespmem:s21+$0x0] =	vst v1  }
0x1a4: {  	v1 =	vld [tilespmem:s22+$0xFFFFFFA0]  }
0x1a5: {  	v0 =	vld.idx.msk [tilespmem:v0+s3+$0x0], $0xffff;
	_ =	sdelay $0x1  }
0x1a6: {  	v3 =	vld.idx.msk [tilespmem:v3+s3+$0x0], $0xffff;
	_ =	sdelay $0x1  }
0x1a7: {  	v2 =	vld.idx.msk [tilespmem:v2+s3+$0x0], $0xffff  }
0x1a8: {  	[tilespmem:s20+$0x20] =	vst v0  }
0x1a9: {  	v0 =	vld [tilespmem:s28+$0xFFFFFFC0]  }
0x1aa: {  	[tilespmem:s21+$0xFFFFFF80] =	vst v3;
	v1 =	vld.idx.msk [tilespmem:v1+s3+$0x0], $0xffff  }
0x1ab: {  	v3 =	vld [tilespmem:s22+$0xFFFFFF20]  }
0x1ac: {  	[tilespmem:s20+$0xFFFFFFA0] =	vst v2  }
0x1ad: {  	v2 =	vld [tilespmem:s28+$0xFFFFFF40];
	_ =	sdelay $0x1  }
0x1ae: {  	[tilespmem:s21+$0x10] =	vst v1  }
0x1af: {  	v1 =	vld [tilespmem:s22+$0xFFFFFFB0]  }
0x1b0: {  	s23 =	simm.s32 $0x1A9F0;
	v0 =	vld.idx.msk [tilespmem:v0+s3+$0x0], $0xffff  }
0x1b1: {  	v4 =	vld [tilespmem:s23+$0xFFFFFF90]  }
0x1b2: {  	v3 =	vld.idx.msk [tilespmem:v3+s3+$0x0], $0xffff  }
0x1b3: {  	v5 =	vld [tilespmem:s23+$0xFFFFFF10]  }
0x1b4: {  	v2 =	vld.idx.msk [tilespmem:v2+s3+$0x0], $0xffff  }
0x1b5: {  	[tilespmem:s20+$0x30] =	vst v0  }
0x1b6: {  	v0 =	vld [tilespmem:s28+$0xFFFFFFD0]  }
0x1b7: {  	[tilespmem:s21+$0xFFFFFF90] =	vst v3;
	v1 =	vld.idx.msk [tilespmem:v1+s3+$0x0], $0xffff  }
0x1b8: {  	v3 =	vld [tilespmem:s22+$0xFFFFFF30]  }
0x1b9: {  	v4 =	vld.idx.msk [tilespmem:v4+s3+$0x0], $0xffff;
	[tilespmem:s20+$0xFFFFFFB0] =	vst v2  }
0x1ba: {  	v2 =	vld [tilespmem:s28+$0xFFFFFF50]  }
0x1bb: {  	s25 =	simm.s32 $0x1AAF0;
	v5 =	vld.idx.msk [tilespmem:v5+s3+$0x0], $0xffff  }
0x1bc: {  	v6 =	vld [tilespmem:s25+$0xFFFFFF90];
	[tilespmem:s21+$0x20] =	vst v1  }
0x1bd: {  	s24 =	simm.s32 $0x1C980;
	v1 =	vld [tilespmem:s22+$0xFFFFFFC0]  }
0x1be: {  	[tilespmem:s24+$0x0] =	vst v4;
	v0 =	vld.idx.msk [tilespmem:v0+s3+$0x0], $0xffff  }
0x1bf: {  	v4 =	vld [tilespmem:s23+$0xFFFFFFA0]  }
0x1c0: {  	[tilespmem:s24+$0xFFFFFF80] =	vst v5;
	v3 =	vld.idx.msk [tilespmem:v3+s3+$0x0], $0xffff  }
0x1c1: {  	v5 =	vld [tilespmem:s23+$0xFFFFFF20]  }
0x1c2: {  	v2 =	vld.idx.msk [tilespmem:v2+s3+$0x0], $0xffff  }
0x1c3: {  	v7 =	vld [tilespmem:s25+$0xFFFFFF10];
	[tilespmem:s20+$0x40] =	vst v0  }
0x1c4: {  	v0 =	vld [tilespmem:s28+$0xFFFFFFE0]  }
0x1c5: {  	[tilespmem:s21+$0xFFFFFFA0] =	vst v3;
	v1 =	vld.idx.msk [tilespmem:v1+s3+$0x0], $0xffff  }
0x1c6: {  	v3 =	vld [tilespmem:s22+$0xFFFFFF40]  }
0x1c7: {  	v4 =	vld.idx.msk [tilespmem:v4+s3+$0x0], $0xffff;
	[tilespmem:s20+$0xFFFFFFC0] =	vst v2  }
0x1c8: {  	v2 =	vld [tilespmem:s28+$0xFFFFFF60]  }
0x1c9: {  	v5 =	vld.idx.msk [tilespmem:v5+s3+$0x0], $0xffff  }
0x1ca: {  	v6 =	vld.idx.msk [tilespmem:v6+s3+$0x0], $0xffff;
	[tilespmem:s21+$0x30] =	vst v1  }
0x1cb: {  	v1 =	vld [tilespmem:s22+$0xFFFFFFD0]  }
0x1cc: {  	[tilespmem:s24+$0x10] =	vst v4;
	v0 =	vld.idx.msk [tilespmem:v0+s3+$0x0], $0xffff  }
0x1cd: {  	v4 =	vld [tilespmem:s23+$0xFFFFFFB0]  }
0x1ce: {  	[tilespmem:s24+$0xFFFFFF90] =	vst v5;
	v3 =	vld.idx.msk [tilespmem:v3+s3+$0x0], $0xffff  }
0x1cf: {  	v5 =	vld [tilespmem:s23+$0xFFFFFF30]  }
0x1d0: {  	v2 =	vld.idx.msk [tilespmem:v2+s3+$0x0], $0xffff  }
0x1d1: {  	v7 =	vld.idx.msk [tilespmem:v7+s3+$0x0], $0xffff;
	[tilespmem:s20+$0x50] =	vst v0  }
0x1d2: {  	v0 =	vld [tilespmem:s28+$0xFFFFFFF0]  }
0x1d3: {  	s26 =	simm.s32 $0x1CA80;
	[tilespmem:s21+$0xFFFFFFB0] =	vst v3;
	v1 =	vld.idx.msk [tilespmem:v1+s3+$0x0], $0xffff  }
0x1d4: {  	[tilespmem:s26+$0x0] =	vst v6;
	v3 =	vld [tilespmem:s22+$0xFFFFFF50]  }
0x1d5: {  	[tilespmem:s20+$0xFFFFFFD0] =	vst v2;
	v2 =	vld.idx.msk [tilespmem:v4+s3+$0x0], $0xffff  }
0x1d6: {  	v6 =	vld [tilespmem:s25+$0xFFFFFFA0]  }
0x1d7: {  	v4 =	vld [tilespmem:s28+$0xFFFFFF70]  }
0x1d8: {  	v5 =	vld.idx.msk [tilespmem:v5+s3+$0x0], $0xffff;
	[tilespmem:s21+$0x40] =	vst v1  }
0x1d9: {  	v1 =	vld [tilespmem:s22+$0xFFFFFFE0]  }
0x1da: {  	[tilespmem:s24+$0x20] =	vst v2;
	v0 =	vld.idx.msk [tilespmem:v0+s3+$0x0], $0xffff  }
0x1db: {  	v2 =	vld [tilespmem:s23+$0xFFFFFFC0]  }
0x1dc: {  	[tilespmem:s26+$0xFFFFFF80] =	vst v7;
	v3 =	vld.idx.msk [tilespmem:v3+s3+$0x0], $0xffff  }
0x1dd: {  	v8 =	vld [tilespmem:s25+$0xFFFFFF20];
	[tilespmem:s24+$0xFFFFFFA0] =	vst v5  }
0x1de: {  	v9 =	vld [tilespmem:s23+$0xFFFFFF40]  }
0x1df: {  	v4 =	vld.idx.msk [tilespmem:v4+s3+$0x0], $0xffff;
	[tilespmem:s20+$0x60] =	vst v0  }
0x1e0: {  	v0 =	vld [tilespmem:s28+$0x0]  }
0x1e1: {  	[tilespmem:s21+$0xFFFFFFC0] =	vst v3;
	v1 =	vld.idx.msk [tilespmem:v1+s3+$0x0], $0xffff  }
0x1e2: {  	v10 =	vld [tilespmem:s22+$0xFFFFFF60]  }
0x1e3: {  	v2 =	vld.idx.msk [tilespmem:v2+s3+$0x0], $0xffff  }
0x1e4: {  	[tilespmem:s20+$0xFFFFFFE0] =	vst v4;
	v4 =	vld.idx.msk [tilespmem:v6+s3+$0x0], $0xffff;
	_ =	sdelay $0x1  }
0x1e5: {  	v5 =	vld.idx.msk [tilespmem:v8+s3+$0x0], $0xffff;
	[tilespmem:s21+$0x50] =	vst v1  }
0x1e6: {  	v1 =	vld [tilespmem:s22+$0xFFFFFFF0]  }
0x1e7: {  	[tilespmem:s24+$0x30] =	vst v2;
	v7 =	vld.idx.msk [tilespmem:v0+s3+$0x0], $0xffff  }
0x1e8: {  	[tilespmem:s26+$0x10] =	vst v4;
	v4 =	vld.idx.msk [tilespmem:v9+s3+$0x0], $0xffff  }
0x1e9: {  	v3 =	vld [tilespmem:s23+$0xFFFFFFD0]  }
0x1ea: {  	v2 =	vld.idx.msk [tilespmem:v10+s3+$0x0], $0xffff  }
0x1eb: {  	v6 =	vld [tilespmem:s25+$0xFFFFFFB0]  }
0x1ec: {  	s29 =	simm.s32 $0x1ABF0;
	v0 =	vld [tilespmem:s28+$0xFFFFFF80];
	s28 =	simm.s32 $0x6;
	[tilespmem:s20+$0x70] =	vst v7  }
.LBB2_6:
0x1ed: {  	v7 =	vld [tilespmem:s29+$0xFFFFFF90];
	s28 =	sadd.s32 $0x2, s28;
	s30 =	smov.u32 s24;
	s24 =	smov.u32 s26  }
0x1ee: {  	v8 =	vld [tilespmem:s29+$0xFFFFFF10];
	p1 =	slt.u32 s28, $0x1E;
	[tilespmem:s26+$0xFFFFFF90] =	vst v5  }
0x1ef: {  	v1 =	vld.idx.msk [tilespmem:v1+s3+$0x0], $0xffff  }
0x1f0: {  	v5 =	vld [tilespmem:s25+$0xFFFFFF30];
	[tilespmem:s30+$0xFFFFFFB0] =	vst v4  }
0x1f1: {  	v3 =	vld.idx.msk [tilespmem:v3+s3+$0x0], $0xffff  }
0x1f2: {  	v4 =	vld [tilespmem:s23+$0xFFFFFF50];
	[tilespmem:s21+$0xFFFFFFD0] =	vst v2  }
0x1f3: {  	v2 =	vld.idx.msk [tilespmem:v6+s3+$0x0], $0xffff  }
0x1f4: {  	v6 =	vld [tilespmem:s22+$0xFFFFFF70]  }
0x1f5: {  	v7 =	vld.idx.msk [tilespmem:v7+s3+$0x0], $0xffff;
	[tilespmem:s21+$0x60] =	vst v1  }
0x1f6: {  	v1 =	vld [tilespmem:s22+$0x0]  }
0x1f7: {  	v8 =	vld.idx.msk [tilespmem:v8+s3+$0x0], $0xffff;
	[tilespmem:s30+$0x40] =	vst v3  }
0x1f8: {  	v3 =	vld [tilespmem:s23+$0xFFFFFFE0]  }
0x1f9: {  	v5 =	vld.idx.msk [tilespmem:v5+s3+$0x0], $0xffff;
	[tilespmem:s26+$0x20] =	vst v2  }
0x1fa: {  	s26 =	sadd.s32 $0x100, s26;
	v2 =	vld [tilespmem:s25+$0xFFFFFFC0]  }
0x1fb: {  	[tilespmem:s26+$0x0] =	vst v7;
	v4 =	vld.idx.msk [tilespmem:v4+s3+$0x0], $0xffff  }
0x1fc: {  	v7 =	vld [tilespmem:s29+$0xFFFFFFA0]  }
0x1fd: {  	[tilespmem:s26+$0xFFFFFF80] =	vst v8;
	v6 =	vld.idx.msk [tilespmem:v6+s3+$0x0], $0xffff  }
0x1fe: {  	v1 =	vld.idx.msk [tilespmem:v1+s3+$0x0], $0xffff  }
0x1ff: {  	v8 =	vld [tilespmem:s29+$0xFFFFFF20];
	[tilespmem:s24+$0xFFFFFFA0] =	vst v5  }
0x200: {  	v3 =	vld.idx.msk [tilespmem:v3+s3+$0x0], $0xffff  }
0x201: {  	v9 =	vld [tilespmem:s25+$0xFFFFFF40];
	[tilespmem:s30+$0xFFFFFFC0] =	vst v4  }
0x202: {  	v2 =	vld.idx.msk [tilespmem:v2+s3+$0x0], $0xffff  }
0x203: {  	v10 =	vld [tilespmem:s23+$0xFFFFFF60];
	[tilespmem:s21+$0xFFFFFFE0] =	vst v6  }
0x204: {  	v4 =	vld.idx.msk [tilespmem:v7+s3+$0x0], $0xffff;
	[tilespmem:s21+$0x70] =	vst v1  }
0x205: {  	v6 =	vld [tilespmem:s22+$0xFFFFFF80];
	s22 =	smov.u32 s23;
	s23 =	smov.u32 s25;
	s25 =	smov.u32 s29  }
0x206: {  	[tilespmem:s30+$0x50] =	vst v3;
	v7 =	vld.idx.msk [tilespmem:v0+s3+$0x0], $0xffff  }
0x207: {  	v1 =	vld [tilespmem:s22+$0xFFFFFFF0]  }
.Ltmp2:
0x208: {  	v5 =	vld.idx.msk [tilespmem:v8+s3+$0x0], $0xffff;
	[tilespmem:s24+$0x30] =	vst v2;
	(pc) =	sbr.rel @p1 .LBB2_6-.Ltmp2, $4  }
0x209: {  	v3 =	vld [tilespmem:s23+$0xFFFFFFD0]  }
0x20a: {  	[tilespmem:s26+$0x10] =	vst v4;
	v4 =	vld.idx.msk [tilespmem:v9+s3+$0x0], $0xffff;
	v0 =	vmov v6  }
0x20b: {  	v6 =	vld [tilespmem:s29+$0xFFFFFFB0]  }
0x20c: {  	s29 =	sadd.s32 $0x100, s29;
	v2 =	vld.idx.msk [tilespmem:v10+s3+$0x0], $0xffff;
	[tilespmem:s20+$0xFFFFFFF0] =	vst v7;
	s20 =	smov.u32 s21;
	s21 =	smov.u32 s30  }
0x20d: {  	[tilespmem:s26+$0xFFFFFF90] =	vst v5  }
0x20e: {  	v5 =	vld [tilespmem:s25+$0xFFFFFF30];
	_ =	sdelay $0x6  }
0x20f: {  	v6 =	vld.idx.msk [tilespmem:v6+s3+$0x0], $0xffff  }
0x210: {  	v5 =	vld.idx.msk [tilespmem:v5+s3+$0x0], $0xffff;
	_ =	sdelay $0x3  }
0x211: {  	[tilespmem:s26+$0x20] =	vst v6  }
0x212: {  	v6 =	vld [tilespmem:s25+$0xFFFFFFC0];
	[tilespmem:s26+$0xFFFFFFA0] =	vst v5  }
0x213: {  	v5 =	vld [tilespmem:s25+$0xFFFFFF40];
	_ =	sdelay $0x6  }
0x214: {  	v6 =	vld.idx.msk [tilespmem:v6+s3+$0x0], $0xffff  }
0x215: {  	v5 =	vld.idx.msk [tilespmem:v5+s3+$0x0], $0xffff;
	_ =	sdelay $0x2  }
0x216: {  	[tilespmem:s24+$0xFFFFFFB0] =	vst v4  }
0x217: {  	[tilespmem:s26+$0x30] =	vst v6;
	v6 =	vld [tilespmem:s23+$0xFFFFFF50]  }
0x218: {  	v4 =	vld [tilespmem:s25+$0xFFFFFFD0];
	[tilespmem:s26+$0xFFFFFFB0] =	vst v5  }
0x219: {  	v5 =	vld [tilespmem:s25+$0xFFFFFF50];
	_ =	sdelay $0x4  }
0x21a: {  	v3 =	vld.idx.msk [tilespmem:v3+s3+$0x0], $0xffff  }
0x21b: {  	v6 =	vld.idx.msk [tilespmem:v6+s3+$0x0], $0xffff  }
0x21c: {  	v4 =	vld.idx.msk [tilespmem:v4+s3+$0x0], $0xffff  }
0x21d: {  	v5 =	vld.idx.msk [tilespmem:v5+s3+$0x0], $0xffff;
	_ =	sdelay $0x1  }
0x21e: {  	[tilespmem:s24+$0x40] =	vst v3  }
0x21f: {  	v3 =	vld [tilespmem:s23+$0xFFFFFFE0];
	[tilespmem:s24+$0xFFFFFFC0] =	vst v6  }
0x220: {  	[tilespmem:s26+$0x40] =	vst v4;
	v6 =	vld [tilespmem:s23+$0xFFFFFF60]  }
0x221: {  	v4 =	vld [tilespmem:s25+$0xFFFFFFE0];
	[tilespmem:s26+$0xFFFFFFC0] =	vst v5  }
0x222: {  	v5 =	vld [tilespmem:s25+$0xFFFFFF60];
	_ =	sdelay $0x4  }
0x223: {  	v3 =	vld.idx.msk [tilespmem:v3+s3+$0x0], $0xffff  }
0x224: {  	v6 =	vld.idx.msk [tilespmem:v6+s3+$0x0], $0xffff  }
0x225: {  	v4 =	vld.idx.msk [tilespmem:v4+s3+$0x0], $0xffff  }
0x226: {  	v5 =	vld.idx.msk [tilespmem:v5+s3+$0x0], $0xffff  }
0x227: {  	v1 =	vld.idx.msk [tilespmem:v1+s3+$0x0], $0xffff;
	[tilespmem:s21+$0xFFFFFFD0] =	vst v2  }
0x228: {  	[tilespmem:s24+$0x50] =	vst v3;
	v3 =	vld [tilespmem:s22+$0xFFFFFF70]  }
0x229: {  	v2 =	vld [tilespmem:s23+$0xFFFFFFF0];
	[tilespmem:s24+$0xFFFFFFD0] =	vst v6  }
0x22a: {  	[tilespmem:s26+$0x50] =	vst v4;
	v6 =	vld [tilespmem:s23+$0xFFFFFF70]  }
0x22b: {  	v4 =	vld [tilespmem:s25+$0xFFFFFFF0];
	[tilespmem:s26+$0xFFFFFFD0] =	vst v5  }
0x22c: {  	v5 =	vld [tilespmem:s25+$0xFFFFFF70];
	_ =	sdelay $0x1  }
0x22d: {  	[tilespmem:s21+$0x60] =	vst v1  }
0x22e: {  	v1 =	vld [tilespmem:s22+$0x0]  }
0x22f: {  	v3 =	vld.idx.msk [tilespmem:v3+s3+$0x0], $0xffff  }
0x230: {  	v2 =	vld.idx.msk [tilespmem:v2+s3+$0x0], $0xffff  }
0x231: {  	v6 =	vld.idx.msk [tilespmem:v6+s3+$0x0], $0xffff  }
0x232: {  	v4 =	vld.idx.msk [tilespmem:v4+s3+$0x0], $0xffff  }
0x233: {  	v5 =	vld.idx.msk [tilespmem:v5+s3+$0x0], $0xffff  }
0x234: {  	[tilespmem:s21+$0xFFFFFFE0] =	vst v3  }
0x235: {  	[tilespmem:s24+$0x60] =	vst v2;
	v3 =	vld [tilespmem:s22+$0xFFFFFF80]  }
0x236: {  	v2 =	vld [tilespmem:s23+$0x0];
	[tilespmem:s24+$0xFFFFFFE0] =	vst v6  }
0x237: {  	[tilespmem:s26+$0x60] =	vst v4;
	v6 =	vld [tilespmem:s23+$0xFFFFFF80]  }
0x238: {  	v4 =	vld [tilespmem:s25+$0x0];
	[tilespmem:s26+$0xFFFFFFE0] =	vst v5  }
0x239: {  	v5 =	vld [tilespmem:s25+$0xFFFFFF80]  }
0x23a: {  	v1 =	vld.idx.msk [tilespmem:v1+s3+$0x0], $0xffff;
	_ =	sdelay $0x1  }
0x23b: {  	v0 =	vld.idx.msk [tilespmem:v0+s3+$0x0], $0xffff  }
0x23c: {  	v3 =	vld.idx.msk [tilespmem:v3+s3+$0x0], $0xffff  }
0x23d: {  	v2 =	vld.idx.msk [tilespmem:v2+s3+$0x0], $0xffff  }
0x23e: {  	[tilespmem:s21+$0x70] =	vst v1;
	v1 =	vld.idx.msk [tilespmem:v6+s3+$0x0], $0xffff  }
0x23f: {  	v4 =	vld.idx.msk [tilespmem:v4+s3+$0x0], $0xffff  }
0x240: {  	[tilespmem:s20+$0xFFFFFFF0] =	vst v0;
	v0 =	vld.idx.msk [tilespmem:v5+s3+$0x0], $0xffff  }
0x241: {  	[tilespmem:s21+$0xFFFFFFF0] =	vst v3  }
0x242: {  	[tilespmem:s24+$0x70] =	vst v2  }
0x243: {  	[tilespmem:s24+$0xFFFFFFF0] =	vst v1  }
0x244: {  	[tilespmem:s26+$0x70] =	vst v4  }
0x245: {  	[tilespmem:s26+$0xFFFFFFF0] =	vst v0  }
0x246: {  	[hbm4b:s7+s3] =	stream.linear.scatter [tilespmem:s16], [sflag:$0x3], $0x1000, $0x38;
	[tilespmem:$0x1EB00] =	vst v63  }
0x247: {  	_ =	swait.ge [sflag:s18], $0x1000  }
0x248: {  	[sflag:s18] =	ssyncset.done $0x0  }
0x249: {  	s28 =	simm.s32 $0x1B7F0;
	[sflag:s18] =	ssyncadd.s32 $0xFFFFF000  }
0x24a: {  	v0 =	vld [tilespmem:s28+$0xFFFFFF90];
	_ =	sdelay $0x1  }
0x24b: {  	v1 =	vld [tilespmem:s28+$0xFFFFFF10];
	_ =	sdelay $0x5  }
0x24c: {  	v0 =	vld.idx.msk [tilespmem:v0+s3+$0x0], $0xffff;
	_ =	sdelay $0x1  }
0x24d: {  	v1 =	vld.idx.msk [tilespmem:v1+s3+$0x0], $0xffff;
	_ =	sdelay $0x1  }
0x24e: {  	s20 =	simm.s32 $0x1D7F0  }
0x24f: {  	[tilespmem:s20+$0xFFFFFF90] =	vst v0  }
0x250: {  	v0 =	vld [tilespmem:s28+$0xFFFFFFA0]  }
0x251: {  	[tilespmem:s20+$0xFFFFFF10] =	vst v1  }
0x252: {  	v1 =	vld [tilespmem:s28+$0xFFFFFF20];
	_ =	sdelay $0x3  }
0x253: {  	s22 =	simm.s32 $0x1B8F0  }
0x254: {  	v2 =	vld [tilespmem:s22+$0xFFFFFF90]  }
0x255: {  	v0 =	vld.idx.msk [tilespmem:v0+s3+$0x0], $0xffff;
	_ =	sdelay $0x1  }
0x256: {  	v1 =	vld.idx.msk [tilespmem:v1+s3+$0x0], $0xffff;
	_ =	sdelay $0x2  }
0x257: {  	[tilespmem:s20+$0xFFFFFFA0] =	vst v0  }
0x258: {  	v0 =	vld [tilespmem:s28+$0xFFFFFFB0]  }
0x259: {  	[tilespmem:s20+$0xFFFFFF20] =	vst v1;
	v1 =	vld.idx.msk [tilespmem:v2+s3+$0x0], $0xffff  }
0x25a: {  	v3 =	vld [tilespmem:s22+$0xFFFFFF10];
	_ =	sdelay $0x1  }
0x25b: {  	v2 =	vld [tilespmem:s28+$0xFFFFFF30]  }
0x25c: {  	s21 =	simm.s32 $0x1D8F0  }
0x25d: {  	[tilespmem:s21+$0xFFFFFF90] =	vst v1  }
0x25e: {  	v1 =	vld [tilespmem:s22+$0xFFFFFFA0]  }
0x25f: {  	v0 =	vld.idx.msk [tilespmem:v0+s3+$0x0], $0xffff;
	_ =	sdelay $0x1  }
0x260: {  	v3 =	vld.idx.msk [tilespmem:v3+s3+$0x0], $0xffff;
	_ =	sdelay $0x1  }
0x261: {  	v2 =	vld.idx.msk [tilespmem:v2+s3+$0x0], $0xffff  }
0x262: {  	[tilespmem:s20+$0xFFFFFFB0] =	vst v0  }
0x263: {  	v0 =	vld [tilespmem:s28+$0xFFFFFFC0]  }
0x264: {  	[tilespmem:s21+$0xFFFFFF10] =	vst v3;
	v1 =	vld.idx.msk [tilespmem:v1+s3+$0x0], $0xffff  }
0x265: {  	v3 =	vld [tilespmem:s22+$0xFFFFFF20]  }
0x266: {  	[tilespmem:s20+$0xFFFFFF30] =	vst v2  }
0x267: {  	v2 =	vld [tilespmem:s28+$0xFFFFFF40];
	_ =	sdelay $0x1  }
0x268: {  	[tilespmem:s21+$0xFFFFFFA0] =	vst v1  }
0x269: {  	v1 =	vld [tilespmem:s22+$0xFFFFFFB0]  }
0x26a: {  	s23 =	simm.s32 $0x1B9F0;
	v0 =	vld.idx.msk [tilespmem:v0+s3+$0x0], $0xffff  }
0x26b: {  	v4 =	vld [tilespmem:s23+$0xFFFFFF90]  }
0x26c: {  	v3 =	vld.idx.msk [tilespmem:v3+s3+$0x0], $0xffff  }
0x26d: {  	v5 =	vld [tilespmem:s23+$0xFFFFFF10]  }
0x26e: {  	v2 =	vld.idx.msk [tilespmem:v2+s3+$0x0], $0xffff  }
0x26f: {  	[tilespmem:s20+$0xFFFFFFC0] =	vst v0  }
0x270: {  	v0 =	vld [tilespmem:s28+$0xFFFFFFD0]  }
0x271: {  	[tilespmem:s21+$0xFFFFFF20] =	vst v3;
	v1 =	vld.idx.msk [tilespmem:v1+s3+$0x0], $0xffff  }
0x272: {  	v3 =	vld [tilespmem:s22+$0xFFFFFF30]  }
0x273: {  	v4 =	vld.idx.msk [tilespmem:v4+s3+$0x0], $0xffff;
	[tilespmem:s20+$0xFFFFFF40] =	vst v2  }
0x274: {  	v2 =	vld [tilespmem:s28+$0xFFFFFF50]  }
0x275: {  	s25 =	simm.s32 $0x1BAF0;
	v5 =	vld.idx.msk [tilespmem:v5+s3+$0x0], $0xffff  }
0x276: {  	v6 =	vld [tilespmem:s25+$0xFFFFFF90];
	[tilespmem:s21+$0xFFFFFFB0] =	vst v1  }
0x277: {  	s24 =	simm.s32 $0x1D9F0;
	v1 =	vld [tilespmem:s22+$0xFFFFFFC0]  }
0x278: {  	[tilespmem:s24+$0xFFFFFF90] =	vst v4;
	v0 =	vld.idx.msk [tilespmem:v0+s3+$0x0], $0xffff  }
0x279: {  	v4 =	vld [tilespmem:s23+$0xFFFFFFA0]  }
0x27a: {  	[tilespmem:s24+$0xFFFFFF10] =	vst v5;
	v3 =	vld.idx.msk [tilespmem:v3+s3+$0x0], $0xffff  }
0x27b: {  	v5 =	vld [tilespmem:s23+$0xFFFFFF20]  }
0x27c: {  	v2 =	vld.idx.msk [tilespmem:v2+s3+$0x0], $0xffff  }
0x27d: {  	v7 =	vld [tilespmem:s25+$0xFFFFFF10];
	[tilespmem:s20+$0xFFFFFFD0] =	vst v0  }
0x27e: {  	v0 =	vld [tilespmem:s28+$0xFFFFFFE0]  }
0x27f: {  	[tilespmem:s21+$0xFFFFFF30] =	vst v3;
	v1 =	vld.idx.msk [tilespmem:v1+s3+$0x0], $0xffff  }
0x280: {  	v3 =	vld [tilespmem:s22+$0xFFFFFF40]  }
0x281: {  	v4 =	vld.idx.msk [tilespmem:v4+s3+$0x0], $0xffff;
	[tilespmem:s20+$0xFFFFFF50] =	vst v2  }
0x282: {  	v2 =	vld [tilespmem:s28+$0xFFFFFF60]  }
0x283: {  	v5 =	vld.idx.msk [tilespmem:v5+s3+$0x0], $0xffff  }
0x284: {  	v6 =	vld.idx.msk [tilespmem:v6+s3+$0x0], $0xffff;
	[tilespmem:s21+$0xFFFFFFC0] =	vst v1  }
0x285: {  	v1 =	vld [tilespmem:s22+$0xFFFFFFD0]  }
0x286: {  	[tilespmem:s24+$0xFFFFFFA0] =	vst v4;
	v0 =	vld.idx.msk [tilespmem:v0+s3+$0x0], $0xffff  }
0x287: {  	v4 =	vld [tilespmem:s23+$0xFFFFFFB0]  }
0x288: {  	[tilespmem:s24+$0xFFFFFF20] =	vst v5;
	v3 =	vld.idx.msk [tilespmem:v3+s3+$0x0], $0xffff  }
0x289: {  	v5 =	vld [tilespmem:s23+$0xFFFFFF30]  }
0x28a: {  	v2 =	vld.idx.msk [tilespmem:v2+s3+$0x0], $0xffff  }
0x28b: {  	v7 =	vld.idx.msk [tilespmem:v7+s3+$0x0], $0xffff;
	[tilespmem:s20+$0xFFFFFFE0] =	vst v0  }
0x28c: {  	v0 =	vld [tilespmem:s28+$0xFFFFFFF0]  }
0x28d: {  	s26 =	simm.s32 $0x1DAF0;
	[tilespmem:s21+$0xFFFFFF40] =	vst v3;
	v1 =	vld.idx.msk [tilespmem:v1+s3+$0x0], $0xffff  }
0x28e: {  	[tilespmem:s26+$0xFFFFFF90] =	vst v6;
	v3 =	vld [tilespmem:s22+$0xFFFFFF50]  }
0x28f: {  	[tilespmem:s20+$0xFFFFFF60] =	vst v2;
	v2 =	vld.idx.msk [tilespmem:v4+s3+$0x0], $0xffff  }
0x290: {  	v6 =	vld [tilespmem:s25+$0xFFFFFFA0]  }
0x291: {  	v4 =	vld [tilespmem:s28+$0xFFFFFF70]  }
0x292: {  	v5 =	vld.idx.msk [tilespmem:v5+s3+$0x0], $0xffff;
	[tilespmem:s21+$0xFFFFFFD0] =	vst v1  }
0x293: {  	v1 =	vld [tilespmem:s22+$0xFFFFFFE0]  }
0x294: {  	[tilespmem:s24+$0xFFFFFFB0] =	vst v2;
	v0 =	vld.idx.msk [tilespmem:v0+s3+$0x0], $0xffff  }
0x295: {  	v2 =	vld [tilespmem:s23+$0xFFFFFFC0]  }
0x296: {  	[tilespmem:s26+$0xFFFFFF10] =	vst v7;
	v3 =	vld.idx.msk [tilespmem:v3+s3+$0x0], $0xffff  }
0x297: {  	v8 =	vld [tilespmem:s25+$0xFFFFFF20];
	[tilespmem:s24+$0xFFFFFF30] =	vst v5  }
0x298: {  	v9 =	vld [tilespmem:s23+$0xFFFFFF40]  }
0x299: {  	v4 =	vld.idx.msk [tilespmem:v4+s3+$0x0], $0xffff;
	[tilespmem:s20+$0xFFFFFFF0] =	vst v0  }
0x29a: {  	v0 =	vld [tilespmem:s28+$0x0]  }
0x29b: {  	[tilespmem:s21+$0xFFFFFF50] =	vst v3;
	v1 =	vld.idx.msk [tilespmem:v1+s3+$0x0], $0xffff  }
0x29c: {  	v10 =	vld [tilespmem:s22+$0xFFFFFF60]  }
0x29d: {  	v2 =	vld.idx.msk [tilespmem:v2+s3+$0x0], $0xffff  }
0x29e: {  	[tilespmem:s20+$0xFFFFFF70] =	vst v4;
	v4 =	vld.idx.msk [tilespmem:v6+s3+$0x0], $0xffff;
	_ =	sdelay $0x1  }
0x29f: {  	v5 =	vld.idx.msk [tilespmem:v8+s3+$0x0], $0xffff;
	[tilespmem:s21+$0xFFFFFFE0] =	vst v1  }
0x2a0: {  	v1 =	vld [tilespmem:s22+$0xFFFFFFF0]  }
0x2a1: {  	[tilespmem:s24+$0xFFFFFFC0] =	vst v2;
	v7 =	vld.idx.msk [tilespmem:v0+s3+$0x0], $0xffff  }
0x2a2: {  	[tilespmem:s26+$0xFFFFFFA0] =	vst v4;
	v4 =	vld.idx.msk [tilespmem:v9+s3+$0x0], $0xffff  }
0x2a3: {  	v3 =	vld [tilespmem:s23+$0xFFFFFFD0]  }
0x2a4: {  	v2 =	vld.idx.msk [tilespmem:v10+s3+$0x0], $0xffff  }
0x2a5: {  	v6 =	vld [tilespmem:s25+$0xFFFFFFB0]  }
0x2a6: {  	s29 =	simm.s32 $0x1BBF0;
	v0 =	vld [tilespmem:s28+$0xFFFFFF80];
	s28 =	simm.s32 $0x6;
	[tilespmem:s20+$0x0] =	vst v7  }
.LBB2_8:
0x2a7: {  	v7 =	vld [tilespmem:s29+$0xFFFFFF90];
	s28 =	sadd.s32 $0x2, s28;
	s30 =	smov.u32 s24;
	s24 =	smov.u32 s26  }
0x2a8: {  	v8 =	vld [tilespmem:s29+$0xFFFFFF10];
	p1 =	slt.u32 s28, $0x1E;
	[tilespmem:s26+$0xFFFFFF20] =	vst v5  }
0x2a9: {  	v1 =	vld.idx.msk [tilespmem:v1+s3+$0x0], $0xffff  }
0x2aa: {  	v5 =	vld [tilespmem:s25+$0xFFFFFF30];
	[tilespmem:s30+$0xFFFFFF40] =	vst v4  }
0x2ab: {  	v3 =	vld.idx.msk [tilespmem:v3+s3+$0x0], $0xffff  }
0x2ac: {  	v4 =	vld [tilespmem:s23+$0xFFFFFF50];
	[tilespmem:s21+$0xFFFFFF60] =	vst v2  }
0x2ad: {  	v2 =	vld.idx.msk [tilespmem:v6+s3+$0x0], $0xffff  }
0x2ae: {  	v6 =	vld [tilespmem:s22+$0xFFFFFF70]  }
0x2af: {  	v7 =	vld.idx.msk [tilespmem:v7+s3+$0x0], $0xffff;
	[tilespmem:s21+$0xFFFFFFF0] =	vst v1  }
0x2b0: {  	v1 =	vld [tilespmem:s22+$0x0]  }
0x2b1: {  	v8 =	vld.idx.msk [tilespmem:v8+s3+$0x0], $0xffff;
	[tilespmem:s30+$0xFFFFFFD0] =	vst v3  }
0x2b2: {  	v3 =	vld [tilespmem:s23+$0xFFFFFFE0]  }
0x2b3: {  	v5 =	vld.idx.msk [tilespmem:v5+s3+$0x0], $0xffff;
	[tilespmem:s26+$0xFFFFFFB0] =	vst v2  }
0x2b4: {  	s26 =	sadd.s32 $0x100, s26;
	v2 =	vld [tilespmem:s25+$0xFFFFFFC0]  }
0x2b5: {  	[tilespmem:s26+$0xFFFFFF90] =	vst v7;
	v4 =	vld.idx.msk [tilespmem:v4+s3+$0x0], $0xffff  }
0x2b6: {  	v7 =	vld [tilespmem:s29+$0xFFFFFFA0]  }
0x2b7: {  	[tilespmem:s26+$0xFFFFFF10] =	vst v8;
	v6 =	vld.idx.msk [tilespmem:v6+s3+$0x0], $0xffff  }
0x2b8: {  	v1 =	vld.idx.msk [tilespmem:v1+s3+$0x0], $0xffff  }
0x2b9: {  	v8 =	vld [tilespmem:s29+$0xFFFFFF20];
	[tilespmem:s24+$0xFFFFFF30] =	vst v5  }
0x2ba: {  	v3 =	vld.idx.msk [tilespmem:v3+s3+$0x0], $0xffff  }
0x2bb: {  	v9 =	vld [tilespmem:s25+$0xFFFFFF40];
	[tilespmem:s30+$0xFFFFFF50] =	vst v4  }
0x2bc: {  	v2 =	vld.idx.msk [tilespmem:v2+s3+$0x0], $0xffff  }
0x2bd: {  	v10 =	vld [tilespmem:s23+$0xFFFFFF60];
	[tilespmem:s21+$0xFFFFFF70] =	vst v6  }
0x2be: {  	v4 =	vld.idx.msk [tilespmem:v7+s3+$0x0], $0xffff;
	[tilespmem:s21+$0x0] =	vst v1  }
0x2bf: {  	v6 =	vld [tilespmem:s22+$0xFFFFFF80];
	s22 =	smov.u32 s23;
	s23 =	smov.u32 s25;
	s25 =	smov.u32 s29  }
0x2c0: {  	[tilespmem:s30+$0xFFFFFFE0] =	vst v3;
	v7 =	vld.idx.msk [tilespmem:v0+s3+$0x0], $0xffff  }
0x2c1: {  	v1 =	vld [tilespmem:s22+$0xFFFFFFF0]  }
.Ltmp3:
0x2c2: {  	v5 =	vld.idx.msk [tilespmem:v8+s3+$0x0], $0xffff;
	[tilespmem:s24+$0xFFFFFFC0] =	vst v2;
	(pc) =	sbr.rel @p1 .LBB2_8-.Ltmp3, $4  }
0x2c3: {  	v3 =	vld [tilespmem:s23+$0xFFFFFFD0]  }
0x2c4: {  	[tilespmem:s26+$0xFFFFFFA0] =	vst v4;
	v4 =	vld.idx.msk [tilespmem:v9+s3+$0x0], $0xffff;
	v0 =	vmov v6  }
0x2c5: {  	v6 =	vld [tilespmem:s29+$0xFFFFFFB0]  }
0x2c6: {  	s29 =	sadd.s32 $0x100, s29;
	v2 =	vld.idx.msk [tilespmem:v10+s3+$0x0], $0xffff;
	[tilespmem:s20+$0xFFFFFF80] =	vst v7;
	s20 =	smov.u32 s21;
	s21 =	smov.u32 s30  }
0x2c7: {  	[tilespmem:s26+$0xFFFFFF20] =	vst v5  }
0x2c8: {  	v5 =	vld [tilespmem:s25+$0xFFFFFF30];
	_ =	sdelay $0x6  }
0x2c9: {  	v6 =	vld.idx.msk [tilespmem:v6+s3+$0x0], $0xffff  }
0x2ca: {  	v5 =	vld.idx.msk [tilespmem:v5+s3+$0x0], $0xffff;
	_ =	sdelay $0x3  }
0x2cb: {  	[tilespmem:s26+$0xFFFFFFB0] =	vst v6  }
0x2cc: {  	v6 =	vld [tilespmem:s25+$0xFFFFFFC0];
	[tilespmem:s26+$0xFFFFFF30] =	vst v5  }
0x2cd: {  	v5 =	vld [tilespmem:s25+$0xFFFFFF40];
	_ =	sdelay $0x6  }
0x2ce: {  	v6 =	vld.idx.msk [tilespmem:v6+s3+$0x0], $0xffff  }
0x2cf: {  	v5 =	vld.idx.msk [tilespmem:v5+s3+$0x0], $0xffff;
	_ =	sdelay $0x2  }
0x2d0: {  	[tilespmem:s24+$0xFFFFFF40] =	vst v4  }
0x2d1: {  	v59 =	vld [tilespmem:s23+$0xFFFFFF50];
	[tilespmem:s26+$0xFFFFFFC0] =	vst v6  }
0x2d2: {  	v58 =	vld [tilespmem:s25+$0xFFFFFFD0];
	[tilespmem:s26+$0xFFFFFF40] =	vst v5  }
0x2d3: {  	v5 =	vld [tilespmem:s25+$0xFFFFFF50];
	_ =	sdelay $0x4  }
0x2d4: {  	v3 =	vld.idx.msk [tilespmem:v3+s3+$0x0], $0xffff  }
0x2d5: {  	v6 =	vld.idx.msk [tilespmem:v59+s3+$0x0], $0xffff  }
0x2d6: {  	v4 =	vld.idx.msk [tilespmem:v58+s3+$0x0], $0xffff  }
0x2d7: {  	v5 =	vld.idx.msk [tilespmem:v5+s3+$0x0], $0xffff;
	_ =	sdelay $0x1  }
0x2d8: {  	[tilespmem:s24+$0xFFFFFFD0] =	vst v3  }
0x2d9: {  	v3 =	vld [tilespmem:s23+$0xFFFFFFE0];
	[tilespmem:s24+$0xFFFFFF50] =	vst v6  }
0x2da: {  	v6 =	vld [tilespmem:s23+$0xFFFFFF60];
	[tilespmem:s26+$0xFFFFFFD0] =	vst v4  }
0x2db: {  	v4 =	vld [tilespmem:s25+$0xFFFFFFE0];
	[tilespmem:s26+$0xFFFFFF50] =	vst v5  }
0x2dc: {  	v5 =	vld [tilespmem:s25+$0xFFFFFF60];
	_ =	sdelay $0x4  }
0x2dd: {  	v3 =	vld.idx.msk [tilespmem:v3+s3+$0x0], $0xffff  }
0x2de: {  	v6 =	vld.idx.msk [tilespmem:v6+s3+$0x0], $0xffff  }
0x2df: {  	v4 =	vld.idx.msk [tilespmem:v4+s3+$0x0], $0xffff  }
0x2e0: {  	v5 =	vld.idx.msk [tilespmem:v5+s3+$0x0], $0xffff  }
0x2e1: {  	[tilespmem:s21+$0xFFFFFF60] =	vst v2  }
0x2e2: {  	v61 =	vld [tilespmem:s22+$0xFFFFFF70];
	[tilespmem:s24+$0xFFFFFFE0] =	vst v3  }
0x2e3: {  	v60 =	vld [tilespmem:s23+$0xFFFFFFF0];
	[tilespmem:s24+$0xFFFFFF60] =	vst v6  }
0x2e4: {  	v6 =	vld [tilespmem:s23+$0xFFFFFF70];
	[tilespmem:s26+$0xFFFFFFE0] =	vst v4  }
0x2e5: {  	v4 =	vld [tilespmem:s25+$0xFFFFFFF0];
	[tilespmem:s26+$0xFFFFFF60] =	vst v5  }
0x2e6: {  	v5 =	vld [tilespmem:s25+$0xFFFFFF70];
	_ =	sdelay $0x2  }
0x2e7: {  	v1 =	vld.idx.msk [tilespmem:v1+s3+$0x0], $0xffff  }
0x2e8: {  	v3 =	vld.idx.msk [tilespmem:v61+s3+$0x0], $0xffff  }
0x2e9: {  	v2 =	vld.idx.msk [tilespmem:v60+s3+$0x0], $0xffff  }
0x2ea: {  	v6 =	vld.idx.msk [tilespmem:v6+s3+$0x0], $0xffff  }
0x2eb: {  	v4 =	vld.idx.msk [tilespmem:v4+s3+$0x0], $0xffff  }
0x2ec: {  	[tilespmem:s21+$0xFFFFFFF0] =	vst v1;
	v5 =	vld.idx.msk [tilespmem:v5+s3+$0x0], $0xffff  }
0x2ed: {  	v1 =	vld [tilespmem:s22+$0x0];
	[tilespmem:s21+$0xFFFFFF70] =	vst v3  }
0x2ee: {  	v3 =	vld [tilespmem:s22+$0xFFFFFF80];
	[tilespmem:s24+$0xFFFFFFF0] =	vst v2  }
0x2ef: {  	v2 =	vld [tilespmem:s23+$0x0];
	[tilespmem:s24+$0xFFFFFF70] =	vst v6  }
0x2f0: {  	v6 =	vld [tilespmem:s23+$0xFFFFFF80];
	[tilespmem:s26+$0xFFFFFFF0] =	vst v4  }
0x2f1: {  	v4 =	vld [tilespmem:s25+$0x0];
	[tilespmem:s26+$0xFFFFFF70] =	vst v5  }
0x2f2: {  	v5 =	vld [tilespmem:s25+$0xFFFFFF80];
	_ =	sdelay $0x1  }
0x2f3: {  	v0 =	vld.idx.msk [tilespmem:v0+s3+$0x0], $0xffff  }
0x2f4: {  	v1 =	vld.idx.msk [tilespmem:v1+s3+$0x0], $0xffff  }
0x2f5: {  	v3 =	vld.idx.msk [tilespmem:v3+s3+$0x0], $0xffff  }
0x2f6: {  	v2 =	vld.idx.msk [tilespmem:v2+s3+$0x0], $0xffff  }
0x2f7: {  	v62 =	vld.idx.msk [tilespmem:v6+s3+$0x0], $0xffff  }
0x2f8: {  	[tilespmem:s20+$0xFFFFFF80] =	vst v0;
	v4 =	vld.idx.msk [tilespmem:v4+s3+$0x0], $0xffff  }
0x2f9: {  	[tilespmem:s21+$0x0] =	vst v1;
	v63 =	vld.idx.msk [tilespmem:v5+s3+$0x0], $0xffff  }
0x2fa: {  	[tilespmem:s21+$0xFFFFFF80] =	vst v3  }
0x2fb: {  	[tilespmem:s24+$0x0] =	vst v2  }
0x2fc: {  	[tilespmem:s24+$0xFFFFFF80] =	vst v62  }
0x2fd: {  	[tilespmem:s26+$0x0] =	vst v4  }
0x2fe: {  	s19 =	sadd.s32 $0x1, s19;
	[tilespmem:s26+$0xFFFFFF80] =	vst v63  }
0x2ff: {  	[hbm4b:s8+s3] =	stream.linear.scatter [tilespmem:s17], [sflag:$0x3], $0x1000, $0x38;
	[tilespmem:$0x1EB00] =	vst v63  }
0x300: {  	p1 =	sne.s32 s19, s9;
	_ =	swait.ge [sflag:s18], $0x1000  }
.Ltmp4:
0x301: {  	[sflag:s18] =	ssyncset.done $0x0;
	(pc) =	sbr.rel @p1 .LBB2_1-.Ltmp4, $4  }
0x302: {  	[sflag:s18] =	ssyncadd.s32 $0xFFFFF000  }
0x303: {  	_ =	swait.ge [sflag:s18], $0x1000  }
0x304: {  	[sflag:s18] =	ssyncset.done $0x0  }
0x305: {  	[sflag:s18] =	ssyncadd.s32 $0xFFFFF000  }
0x306: {  	_ =	sfence.sel $0x180000  }
0x307: {  	[bflag:$0x0] =	sbarrier.arrive $0xFFFF  }
0x308: {  	_ =	strace $0x90000047  }
0x309: {  	s0 =	sadd.s32 @!p0 $0x100000, s1;
	[bflag:$0x2] =	sbarrier.arrive $0xFFFF  }
0x30a: {  	[sflag:s0] =	ssyncadd.tile.s32 @!p0 $0x1;
	_ =	shalt  }
.Lfunc_end2:
_tile_overlayer_lowered:
.L_overlay_start_2:
0x30b: {  	(tag) =	ssettag $0x2  }
0x30c: {  	s0 =	rddreg [dreg:$0x0];
	s2 =	stileid.u32  }
0x30d: {  	s1 =	rddreg [dreg:$0x1];
	p0 =	sne.s32 s2, $0x0  }
0x30e: {  	s3 =	rddreg [dreg:$0x2];
	[bflag:$0x3] =	sbarrier.arrive $0xFFFF;
	s2 =	simm.s32 @!p0 $0x1C04  }
0x30f: {  	[timem:s3], [sflag:s2] =	dma.local @!p0 [hbm:s0], s1  }
0x310: {  	s0 =	simm.s32 @!p0 $0x4  }
0x311: {  	_ =	swait.ge @!p0 [sflag:s0], s1  }
0x312: {  	s1 =	ssub.s32 @!p0 $0x0, s1;
	[sflag:s0] =	ssyncset.done @!p0 $0x0  }
0x313: {  	[sflag:s0] =	ssyncadd.s32 @!p0 s1  }
0x314: {  	[bflag:$0x3] =	sbarrier.arrive $0xFFFF  }
0x315: {  	_ =	shalt  }

</sc_bundles>
